<compile_context>
chip_gen: v7x
topology: tpu7x:2x2x1
jax: 0.10.2.dev20260603
libtpu: 0.0.44.dev20260713+nightly
codegen_flags: <defaults>
</compile_context>

<pallas_src>
import functools

import jax
import jax.numpy as jnp
from jax import lax
from jax.experimental import pallas as pl
from jax.experimental.pallas import tpu as pltpu
from jax.experimental.pallas import tpu_sc as plsc

N = 10000
E = 320000
C = 128
K = 27
EPS = 1e-5

NC = 2
NS = 16
NW = NC * NS
EW = E // NW
CHUNK = 80
NCHUNK = EW // CHUNK
STRIPE = 632
LAST = N - 15 * STRIPE

_mesh = plsc.VectorSubcoreMesh(core_axis_name="c", subcore_axis_name="s")


@functools.partial(
    pl.kernel,
    mesh=_mesh,
    out_type=jax.ShapeDtypeStruct((NC, N, C), jnp.float32),
    scratch_types=[
        pltpu.VMEM((NCHUNK, CHUNK), jnp.int32),
        pltpu.VMEM((NCHUNK, CHUNK), jnp.int32),
        pltpu.VMEM((CHUNK, C), jnp.float32),
        pltpu.VMEM((CHUNK, C), jnp.float32),
        pltpu.VMEM((8, C), jnp.float32),
        pltpu.SemaphoreType.DMA,
        pltpu.SemaphoreType.DMA,
        pltpu.VMEM_SHARED((N, C), jnp.float32),
    ],
    compiler_params=pltpu.CompilerParams(use_tc_tiling_on_sc=False),
)
def _edge_accum(y_hbm, g_hbm, d_hbm, out_hbm,
                gi_v, di_v, rows0, rows1, zb, gsem0, gsem1, acc):
    rows = (rows0, rows1)
    gsem = (gsem0, gsem1)
    cid = lax.axis_index("c")
    sid = lax.axis_index("s")
    wid = sid * NC + cid

    pltpu.sync_copy(g_hbm.at[wid], gi_v)
    pltpu.sync_copy(d_hbm.at[wid], di_v)

    zv = jnp.zeros((16,), jnp.float32)
    for i in range(8):
        def zrow(j, _, i=i):
            zb[i, pl.ds(j * 16, 16)] = zv
            return 0
        lax.fori_loop(0, C // 16, zrow, 0)

    @pl.when(sid < NS - 1)
    def _():
        def zcp(r, _):
            pltpu.sync_copy(zb, acc.at[pl.ds(sid * STRIPE + r * 8, 8)])
            return 0
        lax.fori_loop(0, STRIPE // 8, zcp, 0)

    @pl.when(sid == NS - 1)
    def _():
        def zcp(r, _):
            pltpu.sync_copy(zb, acc.at[pl.ds((NS - 1) * STRIPE + r * 8, 8)])
            return 0
        lax.fori_loop(0, LAST // 8, zcp, 0)

    plsc.subcore_barrier()

    def gather(j, b):
        pltpu.async_copy(y_hbm.at[gi_v.at[j]], rows[b], gsem[b])

    def gather_wait(b):
        pltpu.make_async_copy(y_hbm.at[gi_v.at[0]], rows[b], gsem[b]).wait()

    gather(0, 0)

    def step(j, _):
        for b in range(2):
            @pl.when(j % 2 == b)
            def _(b=b):
                @pl.when(j + 1 < NCHUNK)
                def _():
                    gather(j + 1, 1 - b)
                gather_wait(b)
                pltpu.sync_copy(rows[b], acc.at[di_v.at[j]], add=True)
        return 0

    lax.fori_loop(0, NCHUNK, step, 0)
    plsc.subcore_barrier()

    @pl.when(sid < NS - 1)
    def _():
        pltpu.sync_copy(acc.at[pl.ds(sid * STRIPE, STRIPE)],
                        out_hbm.at[cid].at[pl.ds(sid * STRIPE, STRIPE)])

    @pl.when(sid == NS - 1)
    def _():
        pltpu.sync_copy(acc.at[pl.ds((NS - 1) * STRIPE, LAST)],
                        out_hbm.at[cid].at[pl.ds((NS - 1) * STRIPE, LAST)])


def _mm_body(x_ref, w_ref, y_ref):
    y_ref[0] = jnp.dot(x_ref[...], w_ref[0], preferred_element_type=jnp.float32)


def _mm(xin, W):
    return pl.pallas_call(
        _mm_body,
        grid=(K,),
        in_specs=[
            pl.BlockSpec((N, C), lambda k: (0, 0)),
            pl.BlockSpec((1, C, C), lambda k: (k, 0, 0)),
        ],
        out_specs=pl.BlockSpec((1, N, C), lambda k: (k, 0, 0)),
        out_shape=jax.ShapeDtypeStruct((K, N, C), jnp.float32),
    )(xin, W)


def _bn_from(p_ref, g_ref, b_ref):
    h = p_ref[0] + p_ref[1]
    mu = jnp.mean(h, axis=0, keepdims=True)
    var = jnp.mean((h - mu) * (h - mu), axis=0, keepdims=True)
    return g_ref[...] * (h - mu) * lax.rsqrt(var + EPS) + b_ref[...]


def _mid_body(p_ref, g_ref, b_ref, w_ref, y_ref, h_scr):
    @pl.when(pl.program_id(0) == 0)
    def _():
        h_scr[...] = jnp.maximum(_bn_from(p_ref, g_ref, b_ref), 0.0)

    y_ref[0] = jnp.dot(h_scr[...], w_ref[0], preferred_element_type=jnp.float32)


def _mid(p, g, b, W):
    return pl.pallas_call(
        _mid_body,
        grid=(K,),
        in_specs=[
            pl.BlockSpec((NC, N, C), lambda k: (0, 0, 0)),
            pl.BlockSpec((1, C), lambda k: (0, 0)),
            pl.BlockSpec((1, C), lambda k: (0, 0)),
            pl.BlockSpec((1, C, C), lambda k: (k, 0, 0)),
        ],
        out_specs=pl.BlockSpec((1, N, C), lambda k: (k, 0, 0)),
        out_shape=jax.ShapeDtypeStruct((K, N, C), jnp.float32),
        scratch_shapes=[pltpu.VMEM((N, C), jnp.float32)],
    )(p, g, b, W)


def _final_body(p_ref, g_ref, b_ref, x_ref, o_ref):
    o_ref[...] = jnp.maximum(_bn_from(p_ref, g_ref, b_ref) + x_ref[...], 0.0)


def _final(p, g, b, x):
    return pl.pallas_call(
        _final_body,
        grid=(1,),
        in_specs=[
            pl.BlockSpec((NC, N, C), lambda k: (0, 0, 0)),
            pl.BlockSpec((1, C), lambda k: (0, 0)),
            pl.BlockSpec((1, C), lambda k: (0, 0)),
            pl.BlockSpec((N, C), lambda k: (0, 0)),
        ],
        out_specs=pl.BlockSpec((N, C), lambda k: (0, 0)),
        out_shape=jax.ShapeDtypeStruct((N, C), jnp.float32),
    )(p, g, b, x)


def kernel(x, W1, g1, b1, W2, g2, b2, edge_index, edge_offset):
    src = edge_index[0]
    dst = edge_index[1]
    gidx = (edge_offset * N + src).reshape(NW, NCHUNK, CHUNK)
    didx = dst.reshape(NW, NCHUNK, CHUNK)
    g1r = g1.reshape(1, C)
    b1r = b1.reshape(1, C)
    g2r = g2.reshape(1, C)
    b2r = b2.reshape(1, C)

    y1 = _mm(x, W1).reshape(K * N, C)
    p1 = _edge_accum(y1, gidx, didx)
    y2 = _mid(p1, g1r, b1r, W2).reshape(K * N, C)
    p2 = _edge_accum(y2, gidx, didx)
    return _final(p2, g2r, b2r, x)

# --- scband reference (transcript-rebuilt; emitter-appended) ---
"""Pipeline reference for scband-sparse-res-block-25151328485607 (READ-ONLY COPY).

The authoritative reference and input builder live on the scoring server;
editing this copy changes nothing except your own understanding.
"""

import jax, jax.numpy as jnp
import numpy as np

N = 10000
E = 320000
C = 128
K = 27
EPS = 1e-5


def _bn(h, gamma, beta):
    mean = jnp.mean(h, axis=0, keepdims=True)
    var = jnp.var(h, axis=0, keepdims=True)
    return gamma * (h - mean) / jnp.sqrt(var + EPS) + beta


def _sparse_conv(x, W, src, dst, off):
    # submanifold sparse conv via kernel-map gather/scatter:
    # out[dst] += x[src] @ W[off]
    msgs = x[src]                                   # gather [E, C]
    buckets = jnp.zeros((K * N, x.shape[1]), x.dtype)
    buckets = buckets.at[off * N + dst].add(msgs)    # scatter-add keyed by (offset, dst)
    buckets = buckets.reshape(K, N, x.shape[1])
    return jnp.einsum('knc,kcd->nd', buckets, W)


def setup_inputs(seed: int = 0) -> dict:
    key = jax.random.key(seed)
    ks = jax.random.split(key, 10)
    x = jax.random.normal(ks[0], (N, C), dtype=jnp.float32)
    edge_index = jax.random.randint(ks[1], (2, E), 0, N, dtype=jnp.int32)
    edge_offset = jax.random.randint(ks[2], (E,), 0, K, dtype=jnp.int32)
    w_scale = 1.0 / np.sqrt(C * K)
    W1 = jax.random.normal(ks[3], (K, C, C), dtype=jnp.float32) * w_scale
    W2 = jax.random.normal(ks[4], (K, C, C), dtype=jnp.float32) * w_scale
    g1 = jnp.ones((C,), dtype=jnp.float32)
    b1 = jnp.zeros((C,), dtype=jnp.float32)
    g2 = jnp.ones((C,), dtype=jnp.float32)
    b2 = jnp.zeros((C,), dtype=jnp.float32)
    return {"x": x, "W1": W1, "g1": g1, "b1": b1, "W2": W2, "g2": g2,
            "b2": b2, "edge_index": edge_index, "edge_offset": edge_offset}


def reference(x, W1, g1, b1, W2, g2, b2, edge_index, edge_offset):
    src = edge_index[0]
    dst = edge_index[1]
    # main branch: conv -> BN -> ReLU -> conv -> BN
    h = _sparse_conv(x, W1, src, dst, edge_offset)
    h = jax.nn.relu(_bn(h, g1, b1))
    h = _sparse_conv(h, W2, src, dst, edge_offset)
    h = _bn(h, g2, b2)
    # shortcut is Identity (in_channels == out_channels, stride == 1)
    return jax.nn.relu(h + x)

if __name__ == "__main__":
    import jax
    _d = setup_inputs()
    print(jax.jit(kernel)(*tuple(_d.values())))

</pallas_src>

<mosaic_0001>
#map = affine_map<(d0, d1) -> (0, 0)>
#map1 = affine_map<(d0, d1) -> (0, 0, 0)>
module attributes {stable_mosaic.version = 14 : i64} {
  func.func @_edge_accum(%arg0: i32, %arg1: i32, %arg2: memref<270000x128xf32, #tpu.memory_space<hbm>>, %arg3: memref<32x125x80xi32, #tpu.memory_space<hbm>>, %arg4: memref<32x125x80xi32, #tpu.memory_space<hbm>>, %arg5: memref<2x10000x128xf32, #tpu.memory_space<hbm>>, %arg6: memref<125x80xi32, #tpu.memory_space<vmem>>, %arg7: memref<125x80xi32, #tpu.memory_space<vmem>>, %arg8: memref<80x128xf32, #tpu.memory_space<vmem>>, %arg9: memref<80x128xf32, #tpu.memory_space<vmem>>, %arg10: memref<8x128xf32, #tpu.memory_space<vmem>>, %arg11: memref<!tpu.dma_semaphore, #tpu.memory_space<semaphore_mem>>, %arg12: memref<!tpu.dma_semaphore, #tpu.memory_space<semaphore_mem>>, %arg13: memref<10000x128xf32, #tpu.memory_space<vmem_shared>>) attributes {dimension_semantics = [#tpu.dimension_semantics<core_parallel>, #tpu.dimension_semantics<subcore_parallel>], iteration_bounds = array<i64: 2, 16>, scalar_prefetch = 0 : i64, scratch_operands = 8 : i64, tpu.core_type = #tpu.core_type<sc_vector_subcore>, window_params = [{transform_indices = #map}, {transform_indices = #map1}, {transform_indices = #map1}, {transform_indices = #map1}]} {
    %mul3A = arith.constant 2 : i32
    %mul3A_0 = arith.muli %arg1, %mul3A : i32
    %add3A = arith.addi %mul3A_0, %arg0 : i32
    "tpu.region"() ({
      %run_scoped3A = tpu.sem_alloc : memref<!tpu.dma_semaphore, #tpu.memory_space<semaphore_mem>>
      %dma_start3A_87 = arith.constant 0 : i32
      %dma_start3A_88 = arith.constant 0 : i32
      %dma_start3A_89 = tpu.memref_slice %arg3[%add3A, %dma_start3A_87, %dma_start3A_88] : memref<32x125x80xi32, #tpu.memory_space<hbm>> -> memref<1x125x80xi32, #tpu.memory_space<hbm>>
      %dma_start3A_90 = tpu.memref_squeeze %dma_start3A_89 : memref<1x125x80xi32, #tpu.memory_space<hbm>> -> memref<125x80xi32, #tpu.memory_space<hbm>>
      %dma_start3A_91 = arith.constant 0 : i32
      %dma_start3A_92 = arith.constant 0 : i32
      %dma_start3A_93 = tpu.memref_slice %arg3[%add3A, %dma_start3A_91, %dma_start3A_92] : memref<32x125x80xi32, #tpu.memory_space<hbm>> -> memref<1x125x80xi32, #tpu.memory_space<hbm>>
      %dma_start3A_94 = tpu.memref_squeeze %dma_start3A_93 : memref<1x125x80xi32, #tpu.memory_space<hbm>> -> memref<125x80xi32, #tpu.memory_space<hbm>>
      tpu.enqueue_dma source(%dma_start3A_94 : memref<125x80xi32, #tpu.memory_space<hbm>>) target(%arg6 : memref<125x80xi32, #tpu.memory_space<vmem>>) target_semaphore(%run_scoped3A : memref<!tpu.dma_semaphore, #tpu.memory_space<semaphore_mem>>)
      %dma_wait3A = arith.constant 0 : i32
      %dma_wait3A_95 = arith.constant 0 : i32
      %dma_wait3A_96 = tpu.memref_slice %arg3[%add3A, %dma_wait3A, %dma_wait3A_95] : memref<32x125x80xi32, #tpu.memory_space<hbm>> -> memref<1x125x80xi32, #tpu.memory_space<hbm>>
      %dma_wait3A_97 = tpu.memref_squeeze %dma_wait3A_96 : memref<1x125x80xi32, #tpu.memory_space<hbm>> -> memref<125x80xi32, #tpu.memory_space<hbm>>
      %dma_wait3A_98 = arith.constant 0 : i32
      %dma_wait3A_99 = arith.constant 0 : i32
      %dma_wait3A_100 = tpu.memref_slice %arg3[%add3A, %dma_wait3A_98, %dma_wait3A_99] : memref<32x125x80xi32, #tpu.memory_space<hbm>> -> memref<1x125x80xi32, #tpu.memory_space<hbm>>
      %dma_wait3A_101 = tpu.memref_squeeze %dma_wait3A_100 : memref<1x125x80xi32, #tpu.memory_space<hbm>> -> memref<125x80xi32, #tpu.memory_space<hbm>>
      tpu.wait_dma2 semaphore(%run_scoped3A : memref<!tpu.dma_semaphore, #tpu.memory_space<semaphore_mem>>) src(%dma_wait3A_101 : memref<125x80xi32, #tpu.memory_space<hbm>>) dst(%arg6 : memref<125x80xi32, #tpu.memory_space<vmem>>)
      tpu.yield
    }) : () -> ()
    "tpu.region"() ({
      %run_scoped3A = tpu.sem_alloc : memref<!tpu.dma_semaphore, #tpu.memory_space<semaphore_mem>>
      %dma_start3A_87 = arith.constant 0 : i32
      %dma_start3A_88 = arith.constant 0 : i32
      %dma_start3A_89 = tpu.memref_slice %arg4[%add3A, %dma_start3A_87, %dma_start3A_88] : memref<32x125x80xi32, #tpu.memory_space<hbm>> -> memref<1x125x80xi32, #tpu.memory_space<hbm>>
      %dma_start3A_90 = tpu.memref_squeeze %dma_start3A_89 : memref<1x125x80xi32, #tpu.memory_space<hbm>> -> memref<125x80xi32, #tpu.memory_space<hbm>>
      %dma_start3A_91 = arith.constant 0 : i32
      %dma_start3A_92 = arith.constant 0 : i32
      %dma_start3A_93 = tpu.memref_slice %arg4[%add3A, %dma_start3A_91, %dma_start3A_92] : memref<32x125x80xi32, #tpu.memory_space<hbm>> -> memref<1x125x80xi32, #tpu.memory_space<hbm>>
      %dma_start3A_94 = tpu.memref_squeeze %dma_start3A_93 : memref<1x125x80xi32, #tpu.memory_space<hbm>> -> memref<125x80xi32, #tpu.memory_space<hbm>>
      tpu.enqueue_dma source(%dma_start3A_94 : memref<125x80xi32, #tpu.memory_space<hbm>>) target(%arg7 : memref<125x80xi32, #tpu.memory_space<vmem>>) target_semaphore(%run_scoped3A : memref<!tpu.dma_semaphore, #tpu.memory_space<semaphore_mem>>)
      %dma_wait3A = arith.constant 0 : i32
      %dma_wait3A_95 = arith.constant 0 : i32
      %dma_wait3A_96 = tpu.memref_slice %arg4[%add3A, %dma_wait3A, %dma_wait3A_95] : memref<32x125x80xi32, #tpu.memory_space<hbm>> -> memref<1x125x80xi32, #tpu.memory_space<hbm>>
      %dma_wait3A_97 = tpu.memref_squeeze %dma_wait3A_96 : memref<1x125x80xi32, #tpu.memory_space<hbm>> -> memref<125x80xi32, #tpu.memory_space<hbm>>
      %dma_wait3A_98 = arith.constant 0 : i32
      %dma_wait3A_99 = arith.constant 0 : i32
      %dma_wait3A_100 = tpu.memref_slice %arg4[%add3A, %dma_wait3A_98, %dma_wait3A_99] : memref<32x125x80xi32, #tpu.memory_space<hbm>> -> memref<1x125x80xi32, #tpu.memory_space<hbm>>
      %dma_wait3A_101 = tpu.memref_squeeze %dma_wait3A_100 : memref<1x125x80xi32, #tpu.memory_space<hbm>> -> memref<125x80xi32, #tpu.memory_space<hbm>>
      tpu.wait_dma2 semaphore(%run_scoped3A : memref<!tpu.dma_semaphore, #tpu.memory_space<semaphore_mem>>) src(%dma_wait3A_101 : memref<125x80xi32, #tpu.memory_space<hbm>>) dst(%arg7 : memref<125x80xi32, #tpu.memory_space<vmem>>)
      tpu.yield
    }) : () -> ()
    %broadcast_in_dim3A = arith.constant 0.000000e+00 : f32
    %broadcast_in_dim3A_1 = vector.broadcast %broadcast_in_dim3A : f32 to vector<16xf32>
    %scan3A = arith.constant 0 : i32
    %scan3A_2 = arith.constant 0 : i32
    %scan3A_3 = arith.constant 8 : i32
    %scan3A_4 = arith.addi %scan3A_2, %scan3A_3 : i32
    %scan3A_5 = arith.constant 1 : i32
    %scan3A_6 = scf.for %scan3A_87 = %scan3A_2 to %scan3A_4 step %scan3A_5 iter_args(%scan3A_88 = %scan3A) -> (i32)  : i32 {
      %mul3A_89 = arith.constant 16 : i32
      %mul3A_90 = arith.muli %scan3A_87, %mul3A_89 : i32
      %swap3A = arith.constant 0 : i32
      %swap3A_91 = arith.index_cast %swap3A : i32 to index
      %swap3A_92 = arith.index_cast %mul3A_90 : i32 to index
      %swap3A_93 = tpu.vector_load %arg10[%swap3A_91, %swap3A_92] {strides = array<i32>} : memref<8x128xf32, #tpu.memory_space<vmem>>, vector<1x16xf32>,
      %swap3A_94 = vector.shape_cast %swap3A_93 : vector<1x16xf32> to vector<16xf32>
      %swap3A_95 = vector.shape_cast %broadcast_in_dim3A_1 : vector<16xf32> to vector<1x16xf32>
      tpu.vector_store %arg10[%swap3A_91, %swap3A_92], %swap3A_95 {strides = array<i32>} : memref<8x128xf32, #tpu.memory_space<vmem>>, vector<1x16xf32>,
      %scan3A_96 = arith.constant 0 : i32
      scf.yield %scan3A_96 : i32
    }
    %scan3A_7 = arith.constant 8 : i32
    %scan3A_8 = arith.constant 0 : i32
    %scan3A_9 = arith.constant 0 : i32
    %scan3A_10 = arith.constant 8 : i32
    %scan3A_11 = arith.addi %scan3A_9, %scan3A_10 : i32
    %scan3A_12 = arith.constant 1 : i32
    %scan3A_13 = scf.for %scan3A_87 = %scan3A_9 to %scan3A_11 step %scan3A_12 iter_args(%scan3A_88 = %scan3A_8) -> (i32)  : i32 {
      %mul3A_89 = arith.constant 16 : i32
      %mul3A_90 = arith.muli %scan3A_87, %mul3A_89 : i32
      %swap3A = arith.constant 1 : i32
      %swap3A_91 = arith.index_cast %swap3A : i32 to index
      %swap3A_92 = arith.index_cast %mul3A_90 : i32 to index
      %swap3A_93 = tpu.vector_load %arg10[%swap3A_91, %swap3A_92] {strides = array<i32>} : memref<8x128xf32, #tpu.memory_space<vmem>>, vector<1x16xf32>,
      %swap3A_94 = vector.shape_cast %swap3A_93 : vector<1x16xf32> to vector<16xf32>
      %swap3A_95 = vector.shape_cast %broadcast_in_dim3A_1 : vector<16xf32> to vector<1x16xf32>
      tpu.vector_store %arg10[%swap3A_91, %swap3A_92], %swap3A_95 {strides = array<i32>} : memref<8x128xf32, #tpu.memory_space<vmem>>, vector<1x16xf32>,
      %scan3A_96 = arith.constant 0 : i32
      scf.yield %scan3A_96 : i32
    }
    %scan3A_14 = arith.constant 8 : i32
    %scan3A_15 = arith.constant 0 : i32
    %scan3A_16 = arith.constant 0 : i32
    %scan3A_17 = arith.constant 8 : i32
    %scan3A_18 = arith.addi %scan3A_16, %scan3A_17 : i32
    %scan3A_19 = arith.constant 1 : i32
    %scan3A_20 = scf.for %scan3A_87 = %scan3A_16 to %scan3A_18 step %scan3A_19 iter_args(%scan3A_88 = %scan3A_15) -> (i32)  : i32 {
      %mul3A_89 = arith.constant 16 : i32
      %mul3A_90 = arith.muli %scan3A_87, %mul3A_89 : i32
      %swap3A = arith.constant 2 : i32
      %swap3A_91 = arith.index_cast %swap3A : i32 to index
      %swap3A_92 = arith.index_cast %mul3A_90 : i32 to index
      %swap3A_93 = tpu.vector_load %arg10[%swap3A_91, %swap3A_92] {strides = array<i32>} : memref<8x128xf32, #tpu.memory_space<vmem>>, vector<1x16xf32>,
      %swap3A_94 = vector.shape_cast %swap3A_93 : vector<1x16xf32> to vector<16xf32>
      %swap3A_95 = vector.shape_cast %broadcast_in_dim3A_1 : vector<16xf32> to vector<1x16xf32>
      tpu.vector_store %arg10[%swap3A_91, %swap3A_92], %swap3A_95 {strides = array<i32>} : memref<8x128xf32, #tpu.memory_space<vmem>>, vector<1x16xf32>,
      %scan3A_96 = arith.constant 0 : i32
      scf.yield %scan3A_96 : i32
    }
    %scan3A_21 = arith.constant 8 : i32
    %scan3A_22 = arith.constant 0 : i32
    %scan3A_23 = arith.constant 0 : i32
    %scan3A_24 = arith.constant 8 : i32
    %scan3A_25 = arith.addi %scan3A_23, %scan3A_24 : i32
    %scan3A_26 = arith.constant 1 : i32
    %scan3A_27 = scf.for %scan3A_87 = %scan3A_23 to %scan3A_25 step %scan3A_26 iter_args(%scan3A_88 = %scan3A_22) -> (i32)  : i32 {
      %mul3A_89 = arith.constant 16 : i32
      %mul3A_90 = arith.muli %scan3A_87, %mul3A_89 : i32
      %swap3A = arith.constant 3 : i32
      %swap3A_91 = arith.index_cast %swap3A : i32 to index
      %swap3A_92 = arith.index_cast %mul3A_90 : i32 to index
      %swap3A_93 = tpu.vector_load %arg10[%swap3A_91, %swap3A_92] {strides = array<i32>} : memref<8x128xf32, #tpu.memory_space<vmem>>, vector<1x16xf32>,
      %swap3A_94 = vector.shape_cast %swap3A_93 : vector<1x16xf32> to vector<16xf32>
      %swap3A_95 = vector.shape_cast %broadcast_in_dim3A_1 : vector<16xf32> to vector<1x16xf32>
      tpu.vector_store %arg10[%swap3A_91, %swap3A_92], %swap3A_95 {strides = array<i32>} : memref<8x128xf32, #tpu.memory_space<vmem>>, vector<1x16xf32>,
      %scan3A_96 = arith.constant 0 : i32
      scf.yield %scan3A_96 : i32
    }
    %scan3A_28 = arith.constant 8 : i32
    %scan3A_29 = arith.constant 0 : i32
    %scan3A_30 = arith.constant 0 : i32
    %scan3A_31 = arith.constant 8 : i32
    %scan3A_32 = arith.addi %scan3A_30, %scan3A_31 : i32
    %scan3A_33 = arith.constant 1 : i32
    %scan3A_34 = scf.for %scan3A_87 = %scan3A_30 to %scan3A_32 step %scan3A_33 iter_args(%scan3A_88 = %scan3A_29) -> (i32)  : i32 {
      %mul3A_89 = arith.constant 16 : i32
      %mul3A_90 = arith.muli %scan3A_87, %mul3A_89 : i32
      %swap3A = arith.constant 4 : i32
      %swap3A_91 = arith.index_cast %swap3A : i32 to index
      %swap3A_92 = arith.index_cast %mul3A_90 : i32 to index
      %swap3A_93 = tpu.vector_load %arg10[%swap3A_91, %swap3A_92] {strides = array<i32>} : memref<8x128xf32, #tpu.memory_space<vmem>>, vector<1x16xf32>,
      %swap3A_94 = vector.shape_cast %swap3A_93 : vector<1x16xf32> to vector<16xf32>
      %swap3A_95 = vector.shape_cast %broadcast_in_dim3A_1 : vector<16xf32> to vector<1x16xf32>
      tpu.vector_store %arg10[%swap3A_91, %swap3A_92], %swap3A_95 {strides = array<i32>} : memref<8x128xf32, #tpu.memory_space<vmem>>, vector<1x16xf32>,
      %scan3A_96 = arith.constant 0 : i32
      scf.yield %scan3A_96 : i32
    }
    %scan3A_35 = arith.constant 8 : i32
    %scan3A_36 = arith.constant 0 : i32
    %scan3A_37 = arith.constant 0 : i32
    %scan3A_38 = arith.constant 8 : i32
    %scan3A_39 = arith.addi %scan3A_37, %scan3A_38 : i32
    %scan3A_40 = arith.constant 1 : i32
    %scan3A_41 = scf.for %scan3A_87 = %scan3A_37 to %scan3A_39 step %scan3A_40 iter_args(%scan3A_88 = %scan3A_36) -> (i32)  : i32 {
      %mul3A_89 = arith.constant 16 : i32
      %mul3A_90 = arith.muli %scan3A_87, %mul3A_89 : i32
      %swap3A = arith.constant 5 : i32
      %swap3A_91 = arith.index_cast %swap3A : i32 to index
      %swap3A_92 = arith.index_cast %mul3A_90 : i32 to index
      %swap3A_93 = tpu.vector_load %arg10[%swap3A_91, %swap3A_92] {strides = array<i32>} : memref<8x128xf32, #tpu.memory_space<vmem>>, vector<1x16xf32>,
      %swap3A_94 = vector.shape_cast %swap3A_93 : vector<1x16xf32> to vector<16xf32>
      %swap3A_95 = vector.shape_cast %broadcast_in_dim3A_1 : vector<16xf32> to vector<1x16xf32>
      tpu.vector_store %arg10[%swap3A_91, %swap3A_92], %swap3A_95 {strides = array<i32>} : memref<8x128xf32, #tpu.memory_space<vmem>>, vector<1x16xf32>,
      %scan3A_96 = arith.constant 0 : i32
      scf.yield %scan3A_96 : i32
    }
    %scan3A_42 = arith.constant 8 : i32
    %scan3A_43 = arith.constant 0 : i32
    %scan3A_44 = arith.constant 0 : i32
    %scan3A_45 = arith.constant 8 : i32
    %scan3A_46 = arith.addi %scan3A_44, %scan3A_45 : i32
    %scan3A_47 = arith.constant 1 : i32
    %scan3A_48 = scf.for %scan3A_87 = %scan3A_44 to %scan3A_46 step %scan3A_47 iter_args(%scan3A_88 = %scan3A_43) -> (i32)  : i32 {
      %mul3A_89 = arith.constant 16 : i32
      %mul3A_90 = arith.muli %scan3A_87, %mul3A_89 : i32
      %swap3A = arith.constant 6 : i32
      %swap3A_91 = arith.index_cast %swap3A : i32 to index
      %swap3A_92 = arith.index_cast %mul3A_90 : i32 to index
      %swap3A_93 = tpu.vector_load %arg10[%swap3A_91, %swap3A_92] {strides = array<i32>} : memref<8x128xf32, #tpu.memory_space<vmem>>, vector<1x16xf32>,
      %swap3A_94 = vector.shape_cast %swap3A_93 : vector<1x16xf32> to vector<16xf32>
      %swap3A_95 = vector.shape_cast %broadcast_in_dim3A_1 : vector<16xf32> to vector<1x16xf32>
      tpu.vector_store %arg10[%swap3A_91, %swap3A_92], %swap3A_95 {strides = array<i32>} : memref<8x128xf32, #tpu.memory_space<vmem>>, vector<1x16xf32>,
      %scan3A_96 = arith.constant 0 : i32
      scf.yield %scan3A_96 : i32
    }
    %scan3A_49 = arith.constant 8 : i32
    %scan3A_50 = arith.constant 0 : i32
    %scan3A_51 = arith.constant 0 : i32
    %scan3A_52 = arith.constant 8 : i32
    %scan3A_53 = arith.addi %scan3A_51, %scan3A_52 : i32
    %scan3A_54 = arith.constant 1 : i32
    %scan3A_55 = scf.for %scan3A_87 = %scan3A_51 to %scan3A_53 step %scan3A_54 iter_args(%scan3A_88 = %scan3A_50) -> (i32)  : i32 {
      %mul3A_89 = arith.constant 16 : i32
      %mul3A_90 = arith.muli %scan3A_87, %mul3A_89 : i32
      %swap3A = arith.constant 7 : i32
      %swap3A_91 = arith.index_cast %swap3A : i32 to index
      %swap3A_92 = arith.index_cast %mul3A_90 : i32 to index
      %swap3A_93 = tpu.vector_load %arg10[%swap3A_91, %swap3A_92] {strides = array<i32>} : memref<8x128xf32, #tpu.memory_space<vmem>>, vector<1x16xf32>,
      %swap3A_94 = vector.shape_cast %swap3A_93 : vector<1x16xf32> to vector<16xf32>
      %swap3A_95 = vector.shape_cast %broadcast_in_dim3A_1 : vector<16xf32> to vector<1x16xf32>
      tpu.vector_store %arg10[%swap3A_91, %swap3A_92], %swap3A_95 {strides = array<i32>} : memref<8x128xf32, #tpu.memory_space<vmem>>, vector<1x16xf32>,
      %scan3A_96 = arith.constant 0 : i32
      scf.yield %scan3A_96 : i32
    }
    %scan3A_56 = arith.constant 8 : i32
    %lt3A = arith.constant 15 : i32
    %lt3A_57 = arith.cmpi slt, %arg1, %lt3A : i32
    %convert_element_type3A = arith.extui %lt3A_57 : i1 to i32
    %cond3A = arith.constant 0 : i32
    %cond3A_58 = arith.cmpi ne, %convert_element_type3A, %cond3A : i32
    scf.if %cond3A_58 {
      %scan3A_87 = arith.constant 0 : i32
      %scan3A_88 = arith.constant 0 : i32
      %scan3A_89 = arith.constant 79 : i32
      %scan3A_90 = arith.addi %scan3A_88, %scan3A_89 : i32
      %scan3A_91 = arith.constant 1 : i32
      %scan3A_92 = scf.for %scan3A_94 = %scan3A_88 to %scan3A_90 step %scan3A_91 iter_args(%scan3A_95 = %scan3A_87) -> (i32)  : i32 {
        %mul3A_96 = arith.constant 632 : i32
        %mul3A_97 = arith.muli %arg1, %mul3A_96 : i32
        %mul3A_98 = arith.constant 8 : i32
        %mul3A_99 = arith.muli %scan3A_94, %mul3A_98 : i32
        %add3A_100 = arith.addi %mul3A_97, %mul3A_99 : i32
        "tpu.region"() ({
          %run_scoped3A = tpu.sem_alloc : memref<!tpu.dma_semaphore, #tpu.memory_space<semaphore_mem>>
          %dma_start3A_102 = arith.constant 0 : i32
          %dma_start3A_103 = tpu.memref_slice %arg13[%add3A_100, %dma_start3A_102] : memref<10000x128xf32, #tpu.memory_space<vmem_shared>> -> memref<8x128xf32, #tpu.memory_space<vmem_shared>>
          %dma_start3A_104 = arith.constant 0 : i32
          %dma_start3A_105 = tpu.memref_slice %arg13[%add3A_100, %dma_start3A_104] : memref<10000x128xf32, #tpu.memory_space<vmem_shared>> -> memref<8x128xf32, #tpu.memory_space<vmem_shared>>
          tpu.enqueue_dma source(%arg10 : memref<8x128xf32, #tpu.memory_space<vmem>>) target(%dma_start3A_105 : memref<8x128xf32, #tpu.memory_space<vmem_shared>>) target_semaphore(%run_scoped3A : memref<!tpu.dma_semaphore, #tpu.memory_space<semaphore_mem>>)
          %dma_wait3A = arith.constant 0 : i32
          %dma_wait3A_106 = tpu.memref_slice %arg13[%add3A_100, %dma_wait3A] : memref<10000x128xf32, #tpu.memory_space<vmem_shared>> -> memref<8x128xf32, #tpu.memory_space<vmem_shared>>
          %dma_wait3A_107 = arith.constant 0 : i32
          %dma_wait3A_108 = tpu.memref_slice %arg13[%add3A_100, %dma_wait3A_107] : memref<10000x128xf32, #tpu.memory_space<vmem_shared>> -> memref<8x128xf32, #tpu.memory_space<vmem_shared>>
          tpu.wait_dma2 semaphore(%run_scoped3A : memref<!tpu.dma_semaphore, #tpu.memory_space<semaphore_mem>>) src(%arg10 : memref<8x128xf32, #tpu.memory_space<vmem>>) dst(%dma_wait3A_108 : memref<8x128xf32, #tpu.memory_space<vmem_shared>>)
          tpu.yield
        }) : () -> ()
        %scan3A_101 = arith.constant 0 : i32
        scf.yield %scan3A_101 : i32
      }
      %scan3A_93 = arith.constant 79 : i32
    } else {
    }
    %eq3A = arith.constant 15 : i32
    %eq3A_59 = arith.cmpi eq, %arg1, %eq3A : i32
    %convert_element_type3A_60 = arith.extui %eq3A_59 : i1 to i32
    %cond3A_61 = arith.constant 0 : i32
    %cond3A_62 = arith.cmpi ne, %convert_element_type3A_60, %cond3A_61 : i32
    scf.if %cond3A_62 {
      %scan3A_87 = arith.constant 0 : i32
      %scan3A_88 = arith.constant 0 : i32
      %scan3A_89 = arith.constant 65 : i32
      %scan3A_90 = arith.addi %scan3A_88, %scan3A_89 : i32
      %scan3A_91 = arith.constant 1 : i32
      %scan3A_92 = scf.for %scan3A_94 = %scan3A_88 to %scan3A_90 step %scan3A_91 iter_args(%scan3A_95 = %scan3A_87) -> (i32)  : i32 {
        %mul3A_96 = arith.constant 8 : i32
        %mul3A_97 = arith.muli %scan3A_94, %mul3A_96 : i32
        %add3A_98 = arith.constant 9480 : i32
        %add3A_99 = arith.addi %add3A_98, %mul3A_97 : i32
        "tpu.region"() ({
          %run_scoped3A = tpu.sem_alloc : memref<!tpu.dma_semaphore, #tpu.memory_space<semaphore_mem>>
          %dma_start3A_101 = arith.constant 0 : i32
          %dma_start3A_102 = tpu.memref_slice %arg13[%add3A_99, %dma_start3A_101] : memref<10000x128xf32, #tpu.memory_space<vmem_shared>> -> memref<8x128xf32, #tpu.memory_space<vmem_shared>>
          %dma_start3A_103 = arith.constant 0 : i32
          %dma_start3A_104 = tpu.memref_slice %arg13[%add3A_99, %dma_start3A_103] : memref<10000x128xf32, #tpu.memory_space<vmem_shared>> -> memref<8x128xf32, #tpu.memory_space<vmem_shared>>
          tpu.enqueue_dma source(%arg10 : memref<8x128xf32, #tpu.memory_space<vmem>>) target(%dma_start3A_104 : memref<8x128xf32, #tpu.memory_space<vmem_shared>>) target_semaphore(%run_scoped3A : memref<!tpu.dma_semaphore, #tpu.memory_space<semaphore_mem>>)
          %dma_wait3A = arith.constant 0 : i32
          %dma_wait3A_105 = tpu.memref_slice %arg13[%add3A_99, %dma_wait3A] : memref<10000x128xf32, #tpu.memory_space<vmem_shared>> -> memref<8x128xf32, #tpu.memory_space<vmem_shared>>
          %dma_wait3A_106 = arith.constant 0 : i32
          %dma_wait3A_107 = tpu.memref_slice %arg13[%add3A_99, %dma_wait3A_106] : memref<10000x128xf32, #tpu.memory_space<vmem_shared>> -> memref<8x128xf32, #tpu.memory_space<vmem_shared>>
          tpu.wait_dma2 semaphore(%run_scoped3A : memref<!tpu.dma_semaphore, #tpu.memory_space<semaphore_mem>>) src(%arg10 : memref<8x128xf32, #tpu.memory_space<vmem>>) dst(%dma_wait3A_107 : memref<8x128xf32, #tpu.memory_space<vmem_shared>>)
          tpu.yield
        }) : () -> ()
        %scan3A_100 = arith.constant 0 : i32
        scf.yield %scan3A_100 : i32
      }
      %scan3A_93 = arith.constant 65 : i32
    } else {
    }
    %barrier3A = arith.constant 0 : index
    tpu.barrier barrier_id(%barrier3A)
    %dma_start3A = arith.constant 0 : i32
    %dma_start3A_63 = arith.constant 0 : i32
    %dma_start3A_64 = tpu.memref_slice %arg6[%dma_start3A, %dma_start3A_63] : memref<125x80xi32, #tpu.memory_space<vmem>> -> memref<1x80xi32, #tpu.memory_space<vmem>>
    %dma_start3A_65 = tpu.memref_squeeze %dma_start3A_64 : memref<1x80xi32, #tpu.memory_space<vmem>> -> memref<80xi32, #tpu.memory_space<vmem>>
    %dma_start3A_66 = arith.constant 0 : i32
    %dma_start3A_67 = arith.constant 0 : i32
    %dma_start3A_68 = tpu.memref_slice %arg2[%dma_start3A_66, %dma_start3A_67] : memref<270000x128xf32, #tpu.memory_space<hbm>> -> memref<270000x128xf32, #tpu.memory_space<hbm>>
    tpu.enqueue_indirect_dma source(%dma_start3A_68 : memref<270000x128xf32, #tpu.memory_space<hbm>>) target(%arg8 : memref<80x128xf32, #tpu.memory_space<vmem>>) offsets(%dma_start3A_65 : memref<80xi32, #tpu.memory_space<vmem>>) semaphore(%arg11 : memref<!tpu.dma_semaphore, #tpu.memory_space<semaphore_mem>>)
    %scan3A_69 = arith.constant 0 : i32
    %scan3A_70 = arith.constant 0 : i32
    %scan3A_71 = arith.constant 125 : i32
    %scan3A_72 = arith.addi %scan3A_70, %scan3A_71 : i32
    %scan3A_73 = arith.constant 1 : i32
    %scan3A_74 = scf.for %scan3A_87 = %scan3A_70 to %scan3A_72 step %scan3A_73 iter_args(%scan3A_88 = %scan3A_69) -> (i32)  : i32 {
      %jit3A = arith.constant 2 : i32
      %eq3A_89 = arith.constant 0 : i32
      %eq3A_90 = arith.cmpi eq, %jit3A, %eq3A_89 : i32
      %jit3A_91 = arith.constant 1 : i32
      %select_n3A = arith.select %eq3A_90, %jit3A_91, %jit3A : i32
      %rem3A = arith.remsi %scan3A_87, %select_n3A : i32
      %ne3A = arith.constant 0 : i32
      %ne3A_92 = arith.cmpi ne, %rem3A, %ne3A : i32
      %lt3A_93 = arith.constant 0 : i32
      %lt3A_94 = arith.cmpi slt, %rem3A, %lt3A_93 : i32
      %lt3A_95 = arith.constant 0 : i32
      %lt3A_96 = arith.cmpi slt, %select_n3A, %lt3A_95 : i32
      %ne3A_97 = arith.xori %lt3A_94, %lt3A_96 : i1
      %and3A = arith.andi %ne3A_97, %ne3A_92 : i1
      %add3A_98 = arith.addi %rem3A, %select_n3A : i32
      %select_n3A_99 = arith.select %and3A, %add3A_98, %rem3A : i32
      %eq3A_100 = arith.constant 0 : i32
      %eq3A_101 = arith.cmpi eq, %select_n3A_99, %eq3A_100 : i32
      %convert_element_type3A_102 = arith.extui %eq3A_101 : i1 to i32
      %cond3A_103 = arith.constant 0 : i32
      %cond3A_104 = arith.cmpi ne, %convert_element_type3A_102, %cond3A_103 : i32
      scf.if %cond3A_104 {
        %add3A_127 = arith.constant 1 : i32
        %add3A_128 = arith.addi %scan3A_87, %add3A_127 : i32
        %lt3A_129 = arith.constant 125 : i32
        %lt3A_130 = arith.cmpi slt, %add3A_128, %lt3A_129 : i32
        %convert_element_type3A_131 = arith.extui %lt3A_130 : i1 to i32
        %cond3A_132 = arith.constant 0 : i32
        %cond3A_133 = arith.cmpi ne, %convert_element_type3A_131, %cond3A_132 : i32
        scf.if %cond3A_133 {
          %add3A_140 = arith.constant 1 : i32
          %add3A_141 = arith.addi %scan3A_87, %add3A_140 : i32
          %dma_start3A_142 = arith.constant 0 : i32
          %dma_start3A_143 = tpu.memref_slice %arg6[%add3A_141, %dma_start3A_142] : memref<125x80xi32, #tpu.memory_space<vmem>> -> memref<1x80xi32, #tpu.memory_space<vmem>>
          %dma_start3A_144 = tpu.memref_squeeze %dma_start3A_143 : memref<1x80xi32, #tpu.memory_space<vmem>> -> memref<80xi32, #tpu.memory_space<vmem>>
          %dma_start3A_145 = arith.constant 0 : i32
          %dma_start3A_146 = arith.constant 0 : i32
          %dma_start3A_147 = tpu.memref_slice %arg2[%dma_start3A_145, %dma_start3A_146] : memref<270000x128xf32, #tpu.memory_space<hbm>> -> memref<270000x128xf32, #tpu.memory_space<hbm>>
          tpu.enqueue_indirect_dma source(%dma_start3A_147 : memref<270000x128xf32, #tpu.memory_space<hbm>>) target(%arg9 : memref<80x128xf32, #tpu.memory_space<vmem>>) offsets(%dma_start3A_144 : memref<80xi32, #tpu.memory_space<vmem>>) semaphore(%arg12 : memref<!tpu.dma_semaphore, #tpu.memory_space<semaphore_mem>>)
        } else {
        }
        %dma_wait3A = arith.constant 0 : i32
        %dma_wait3A_134 = arith.constant 0 : i32
        %dma_wait3A_135 = tpu.memref_slice %arg6[%dma_wait3A, %dma_wait3A_134] : memref<125x80xi32, #tpu.memory_space<vmem>> -> memref<1x80xi32, #tpu.memory_space<vmem>>
        %dma_wait3A_136 = tpu.memref_squeeze %dma_wait3A_135 : memref<1x80xi32, #tpu.memory_space<vmem>> -> memref<80xi32, #tpu.memory_space<vmem>>
        %dma_wait3A_137 = arith.constant 0 : i32
        %dma_wait3A_138 = arith.constant 0 : i32
        %dma_wait3A_139 = tpu.memref_slice %arg2[%dma_wait3A_137, %dma_wait3A_138] : memref<270000x128xf32, #tpu.memory_space<hbm>> -> memref<270000x128xf32, #tpu.memory_space<hbm>>
        tpu.wait_indirect_dma semaphore(%arg11 : memref<!tpu.dma_semaphore, #tpu.memory_space<semaphore_mem>>) src(%dma_wait3A_139 : memref<270000x128xf32, #tpu.memory_space<hbm>>) dst(%arg8 : memref<80x128xf32, #tpu.memory_space<vmem>>)
        "tpu.region"() ({
          %run_scoped3A = tpu.sem_alloc : memref<!tpu.dma_semaphore, #tpu.memory_space<semaphore_mem>>
          %dma_start3A_140 = arith.constant 0 : i32
          %dma_start3A_141 = tpu.memref_slice %arg7[%scan3A_87, %dma_start3A_140] : memref<125x80xi32, #tpu.memory_space<vmem>> -> memref<1x80xi32, #tpu.memory_space<vmem>>
          %dma_start3A_142 = tpu.memref_squeeze %dma_start3A_141 : memref<1x80xi32, #tpu.memory_space<vmem>> -> memref<80xi32, #tpu.memory_space<vmem>>
          %dma_start3A_143 = arith.constant 0 : i32
          %dma_start3A_144 = arith.constant 0 : i32
          %dma_start3A_145 = tpu.memref_slice %arg13[%dma_start3A_143, %dma_start3A_144] : memref<10000x128xf32, #tpu.memory_space<vmem_shared>> -> memref<10000x128xf32, #tpu.memory_space<vmem_shared>>
          tpu.enqueue_indirect_dma source(%arg8 : memref<80x128xf32, #tpu.memory_space<vmem>>) target(%dma_start3A_145 : memref<10000x128xf32, #tpu.memory_space<vmem_shared>>) offsets(%dma_start3A_142 : memref<80xi32, #tpu.memory_space<vmem>>) semaphore(%run_scoped3A : memref<!tpu.dma_semaphore, #tpu.memory_space<semaphore_mem>>) {add = true}
          %dma_wait3A_146 = arith.constant 0 : i32
          %dma_wait3A_147 = tpu.memref_slice %arg7[%scan3A_87, %dma_wait3A_146] : memref<125x80xi32, #tpu.memory_space<vmem>> -> memref<1x80xi32, #tpu.memory_space<vmem>>
          %dma_wait3A_148 = tpu.memref_squeeze %dma_wait3A_147 : memref<1x80xi32, #tpu.memory_space<vmem>> -> memref<80xi32, #tpu.memory_space<vmem>>
          %dma_wait3A_149 = arith.constant 0 : i32
          %dma_wait3A_150 = arith.constant 0 : i32
          %dma_wait3A_151 = tpu.memref_slice %arg13[%dma_wait3A_149, %dma_wait3A_150] : memref<10000x128xf32, #tpu.memory_space<vmem_shared>> -> memref<10000x128xf32, #tpu.memory_space<vmem_shared>>
          tpu.wait_indirect_dma semaphore(%run_scoped3A : memref<!tpu.dma_semaphore, #tpu.memory_space<semaphore_mem>>) src(%arg8 : memref<80x128xf32, #tpu.memory_space<vmem>>) dst(%dma_wait3A_151 : memref<10000x128xf32, #tpu.memory_space<vmem_shared>>)
          tpu.yield
        }) : () -> ()
      } else {
      }
      %jit3A_105 = arith.constant 2 : i32
      %eq3A_106 = arith.constant 0 : i32
      %eq3A_107 = arith.cmpi eq, %jit3A_105, %eq3A_106 : i32
      %jit3A_108 = arith.constant 1 : i32
      %select_n3A_109 = arith.select %eq3A_107, %jit3A_108, %jit3A_105 : i32
      %rem3A_110 = arith.remsi %scan3A_87, %select_n3A_109 : i32
      %ne3A_111 = arith.constant 0 : i32
      %ne3A_112 = arith.cmpi ne, %rem3A_110, %ne3A_111 : i32
      %lt3A_113 = arith.constant 0 : i32
      %lt3A_114 = arith.cmpi slt, %rem3A_110, %lt3A_113 : i32
      %lt3A_115 = arith.constant 0 : i32
      %lt3A_116 = arith.cmpi slt, %select_n3A_109, %lt3A_115 : i32
      %ne3A_117 = arith.xori %lt3A_114, %lt3A_116 : i1
      %and3A_118 = arith.andi %ne3A_117, %ne3A_112 : i1
      %add3A_119 = arith.addi %rem3A_110, %select_n3A_109 : i32
      %select_n3A_120 = arith.select %and3A_118, %add3A_119, %rem3A_110 : i32
      %eq3A_121 = arith.constant 1 : i32
      %eq3A_122 = arith.cmpi eq, %select_n3A_120, %eq3A_121 : i32
      %convert_element_type3A_123 = arith.extui %eq3A_122 : i1 to i32
      %cond3A_124 = arith.constant 0 : i32
      %cond3A_125 = arith.cmpi ne, %convert_element_type3A_123, %cond3A_124 : i32
      scf.if %cond3A_125 {
        %add3A_127 = arith.constant 1 : i32
        %add3A_128 = arith.addi %scan3A_87, %add3A_127 : i32
        %lt3A_129 = arith.constant 125 : i32
        %lt3A_130 = arith.cmpi slt, %add3A_128, %lt3A_129 : i32
        %convert_element_type3A_131 = arith.extui %lt3A_130 : i1 to i32
        %cond3A_132 = arith.constant 0 : i32
        %cond3A_133 = arith.cmpi ne, %convert_element_type3A_131, %cond3A_132 : i32
        scf.if %cond3A_133 {
          %add3A_140 = arith.constant 1 : i32
          %add3A_141 = arith.addi %scan3A_87, %add3A_140 : i32
          %dma_start3A_142 = arith.constant 0 : i32
          %dma_start3A_143 = tpu.memref_slice %arg6[%add3A_141, %dma_start3A_142] : memref<125x80xi32, #tpu.memory_space<vmem>> -> memref<1x80xi32, #tpu.memory_space<vmem>>
          %dma_start3A_144 = tpu.memref_squeeze %dma_start3A_143 : memref<1x80xi32, #tpu.memory_space<vmem>> -> memref<80xi32, #tpu.memory_space<vmem>>
          %dma_start3A_145 = arith.constant 0 : i32
          %dma_start3A_146 = arith.constant 0 : i32
          %dma_start3A_147 = tpu.memref_slice %arg2[%dma_start3A_145, %dma_start3A_146] : memref<270000x128xf32, #tpu.memory_space<hbm>> -> memref<270000x128xf32, #tpu.memory_space<hbm>>
          tpu.enqueue_indirect_dma source(%dma_start3A_147 : memref<270000x128xf32, #tpu.memory_space<hbm>>) target(%arg8 : memref<80x128xf32, #tpu.memory_space<vmem>>) offsets(%dma_start3A_144 : memref<80xi32, #tpu.memory_space<vmem>>) semaphore(%arg11 : memref<!tpu.dma_semaphore, #tpu.memory_space<semaphore_mem>>)
        } else {
        }
        %dma_wait3A = arith.constant 0 : i32
        %dma_wait3A_134 = arith.constant 0 : i32
        %dma_wait3A_135 = tpu.memref_slice %arg6[%dma_wait3A, %dma_wait3A_134] : memref<125x80xi32, #tpu.memory_space<vmem>> -> memref<1x80xi32, #tpu.memory_space<vmem>>
        %dma_wait3A_136 = tpu.memref_squeeze %dma_wait3A_135 : memref<1x80xi32, #tpu.memory_space<vmem>> -> memref<80xi32, #tpu.memory_space<vmem>>
        %dma_wait3A_137 = arith.constant 0 : i32
        %dma_wait3A_138 = arith.constant 0 : i32
        %dma_wait3A_139 = tpu.memref_slice %arg2[%dma_wait3A_137, %dma_wait3A_138] : memref<270000x128xf32, #tpu.memory_space<hbm>> -> memref<270000x128xf32, #tpu.memory_space<hbm>>
        tpu.wait_indirect_dma semaphore(%arg12 : memref<!tpu.dma_semaphore, #tpu.memory_space<semaphore_mem>>) src(%dma_wait3A_139 : memref<270000x128xf32, #tpu.memory_space<hbm>>) dst(%arg9 : memref<80x128xf32, #tpu.memory_space<vmem>>)
        "tpu.region"() ({
          %run_scoped3A = tpu.sem_alloc : memref<!tpu.dma_semaphore, #tpu.memory_space<semaphore_mem>>
          %dma_start3A_140 = arith.constant 0 : i32
          %dma_start3A_141 = tpu.memref_slice %arg7[%scan3A_87, %dma_start3A_140] : memref<125x80xi32, #tpu.memory_space<vmem>> -> memref<1x80xi32, #tpu.memory_space<vmem>>
          %dma_start3A_142 = tpu.memref_squeeze %dma_start3A_141 : memref<1x80xi32, #tpu.memory_space<vmem>> -> memref<80xi32, #tpu.memory_space<vmem>>
          %dma_start3A_143 = arith.constant 0 : i32
          %dma_start3A_144 = arith.constant 0 : i32
          %dma_start3A_145 = tpu.memref_slice %arg13[%dma_start3A_143, %dma_start3A_144] : memref<10000x128xf32, #tpu.memory_space<vmem_shared>> -> memref<10000x128xf32, #tpu.memory_space<vmem_shared>>
          tpu.enqueue_indirect_dma source(%arg9 : memref<80x128xf32, #tpu.memory_space<vmem>>) target(%dma_start3A_145 : memref<10000x128xf32, #tpu.memory_space<vmem_shared>>) offsets(%dma_start3A_142 : memref<80xi32, #tpu.memory_space<vmem>>) semaphore(%run_scoped3A : memref<!tpu.dma_semaphore, #tpu.memory_space<semaphore_mem>>) {add = true}
          %dma_wait3A_146 = arith.constant 0 : i32
          %dma_wait3A_147 = tpu.memref_slice %arg7[%scan3A_87, %dma_wait3A_146] : memref<125x80xi32, #tpu.memory_space<vmem>> -> memref<1x80xi32, #tpu.memory_space<vmem>>
          %dma_wait3A_148 = tpu.memref_squeeze %dma_wait3A_147 : memref<1x80xi32, #tpu.memory_space<vmem>> -> memref<80xi32, #tpu.memory_space<vmem>>
          %dma_wait3A_149 = arith.constant 0 : i32
          %dma_wait3A_150 = arith.constant 0 : i32
          %dma_wait3A_151 = tpu.memref_slice %arg13[%dma_wait3A_149, %dma_wait3A_150] : memref<10000x128xf32, #tpu.memory_space<vmem_shared>> -> memref<10000x128xf32, #tpu.memory_space<vmem_shared>>
          tpu.wait_indirect_dma semaphore(%run_scoped3A : memref<!tpu.dma_semaphore, #tpu.memory_space<semaphore_mem>>) src(%arg9 : memref<80x128xf32, #tpu.memory_space<vmem>>) dst(%dma_wait3A_151 : memref<10000x128xf32, #tpu.memory_space<vmem_shared>>)
          tpu.yield
        }) : () -> ()
      } else {
      }
      %scan3A_126 = arith.constant 0 : i32
      scf.yield %scan3A_126 : i32
    }
    %scan3A_75 = arith.constant 125 : i32
    %barrier3A_76 = arith.constant 0 : index
    tpu.barrier barrier_id(%barrier3A_76)
    %lt3A_77 = arith.constant 15 : i32
    %lt3A_78 = arith.cmpi slt, %arg1, %lt3A_77 : i32
    %convert_element_type3A_79 = arith.extui %lt3A_78 : i1 to i32
    %cond3A_80 = arith.constant 0 : i32
    %cond3A_81 = arith.cmpi ne, %convert_element_type3A_79, %cond3A_80 : i32
    scf.if %cond3A_81 {
      %mul3A_87 = arith.constant 632 : i32
      %mul3A_88 = arith.muli %arg1, %mul3A_87 : i32
      %mul3A_89 = arith.constant 632 : i32
      %mul3A_90 = arith.muli %arg1, %mul3A_89 : i32
      "tpu.region"() ({
        %run_scoped3A = tpu.sem_alloc : memref<!tpu.dma_semaphore, #tpu.memory_space<semaphore_mem>>
        %dma_start3A_91 = arith.constant 0 : i32
        %dma_start3A_92 = arith.constant 0 : i32
        %dma_start3A_93 = tpu.memref_slice %arg5[%arg0, %dma_start3A_91, %dma_start3A_92] : memref<2x10000x128xf32, #tpu.memory_space<hbm>> -> memref<1x10000x128xf32, #tpu.memory_space<hbm>>
        %dma_start3A_94 = tpu.memref_squeeze %dma_start3A_93 : memref<1x10000x128xf32, #tpu.memory_space<hbm>> -> memref<10000x128xf32, #tpu.memory_space<hbm>>
        %dma_start3A_95 = arith.constant 0 : i32
        %dma_start3A_96 = tpu.memref_slice %dma_start3A_94[%mul3A_90, %dma_start3A_95] : memref<10000x128xf32, #tpu.memory_space<hbm>> -> memref<632x128xf32, #tpu.memory_space<hbm>>
        %dma_start3A_97 = arith.constant 0 : i32
        %dma_start3A_98 = tpu.memref_slice %arg13[%mul3A_88, %dma_start3A_97] : memref<10000x128xf32, #tpu.memory_space<vmem_shared>> -> memref<632x128xf32, #tpu.memory_space<vmem_shared>>
        tpu.enqueue_dma source(%dma_start3A_98 : memref<632x128xf32, #tpu.memory_space<vmem_shared>>) target(%dma_start3A_96 : memref<632x128xf32, #tpu.memory_space<hbm>>) target_semaphore(%run_scoped3A : memref<!tpu.dma_semaphore, #tpu.memory_space<semaphore_mem>>)
        %dma_wait3A = arith.constant 0 : i32
        %dma_wait3A_99 = arith.constant 0 : i32
        %dma_wait3A_100 = tpu.memref_slice %arg5[%arg0, %dma_wait3A, %dma_wait3A_99] : memref<2x10000x128xf32, #tpu.memory_space<hbm>> -> memref<1x10000x128xf32, #tpu.memory_space<hbm>>
        %dma_wait3A_101 = tpu.memref_squeeze %dma_wait3A_100 : memref<1x10000x128xf32, #tpu.memory_space<hbm>> -> memref<10000x128xf32, #tpu.memory_space<hbm>>
        %dma_wait3A_102 = arith.constant 0 : i32
        %dma_wait3A_103 = tpu.memref_slice %dma_wait3A_101[%mul3A_90, %dma_wait3A_102] : memref<10000x128xf32, #tpu.memory_space<hbm>> -> memref<632x128xf32, #tpu.memory_space<hbm>>
        %dma_wait3A_104 = arith.constant 0 : i32
        %dma_wait3A_105 = tpu.memref_slice %arg13[%mul3A_88, %dma_wait3A_104] : memref<10000x128xf32, #tpu.memory_space<vmem_shared>> -> memref<632x128xf32, #tpu.memory_space<vmem_shared>>
        tpu.wait_dma2 semaphore(%run_scoped3A : memref<!tpu.dma_semaphore, #tpu.memory_space<semaphore_mem>>) src(%dma_wait3A_105 : memref<632x128xf32, #tpu.memory_space<vmem_shared>>) dst(%dma_wait3A_103 : memref<632x128xf32, #tpu.memory_space<hbm>>)
        tpu.yield
      }) : () -> ()
    } else {
    }
    %eq3A_82 = arith.constant 15 : i32
    %eq3A_83 = arith.cmpi eq, %arg1, %eq3A_82 : i32
    %convert_element_type3A_84 = arith.extui %eq3A_83 : i1 to i32
    %cond3A_85 = arith.constant 0 : i32
    %cond3A_86 = arith.cmpi ne, %convert_element_type3A_84, %cond3A_85 : i32
    scf.if %cond3A_86 {
      "tpu.region"() ({
        %run_scoped3A = tpu.sem_alloc : memref<!tpu.dma_semaphore, #tpu.memory_space<semaphore_mem>>
        %dma_start3A_87 = arith.constant 0 : i32
        %dma_start3A_88 = arith.constant 0 : i32
        %dma_start3A_89 = tpu.memref_slice %arg5[%arg0, %dma_start3A_87, %dma_start3A_88] : memref<2x10000x128xf32, #tpu.memory_space<hbm>> -> memref<1x10000x128xf32, #tpu.memory_space<hbm>>
        %dma_start3A_90 = tpu.memref_squeeze %dma_start3A_89 : memref<1x10000x128xf32, #tpu.memory_space<hbm>> -> memref<10000x128xf32, #tpu.memory_space<hbm>>
        %dma_start3A_91 = arith.constant 9480 : i32
        %dma_start3A_92 = arith.constant 0 : i32
        %dma_start3A_93 = tpu.memref_slice %dma_start3A_90[%dma_start3A_91, %dma_start3A_92] : memref<10000x128xf32, #tpu.memory_space<hbm>> -> memref<520x128xf32, #tpu.memory_space<hbm>>
        %dma_start3A_94 = arith.constant 9480 : i32
        %dma_start3A_95 = arith.constant 0 : i32
        %dma_start3A_96 = tpu.memref_slice %arg13[%dma_start3A_94, %dma_start3A_95] : memref<10000x128xf32, #tpu.memory_space<vmem_shared>> -> memref<520x128xf32, #tpu.memory_space<vmem_shared>>
        tpu.enqueue_dma source(%dma_start3A_96 : memref<520x128xf32, #tpu.memory_space<vmem_shared>>) target(%dma_start3A_93 : memref<520x128xf32, #tpu.memory_space<hbm>>) target_semaphore(%run_scoped3A : memref<!tpu.dma_semaphore, #tpu.memory_space<semaphore_mem>>)
        %dma_wait3A = arith.constant 0 : i32
        %dma_wait3A_97 = arith.constant 0 : i32
        %dma_wait3A_98 = tpu.memref_slice %arg5[%arg0, %dma_wait3A, %dma_wait3A_97] : memref<2x10000x128xf32, #tpu.memory_space<hbm>> -> memref<1x10000x128xf32, #tpu.memory_space<hbm>>
        %dma_wait3A_99 = tpu.memref_squeeze %dma_wait3A_98 : memref<1x10000x128xf32, #tpu.memory_space<hbm>> -> memref<10000x128xf32, #tpu.memory_space<hbm>>
        %dma_wait3A_100 = arith.constant 9480 : i32
        %dma_wait3A_101 = arith.constant 0 : i32
        %dma_wait3A_102 = tpu.memref_slice %dma_wait3A_99[%dma_wait3A_100, %dma_wait3A_101] : memref<10000x128xf32, #tpu.memory_space<hbm>> -> memref<520x128xf32, #tpu.memory_space<hbm>>
        %dma_wait3A_103 = arith.constant 9480 : i32
        %dma_wait3A_104 = arith.constant 0 : i32
        %dma_wait3A_105 = tpu.memref_slice %arg13[%dma_wait3A_103, %dma_wait3A_104] : memref<10000x128xf32, #tpu.memory_space<vmem_shared>> -> memref<520x128xf32, #tpu.memory_space<vmem_shared>>
        tpu.wait_dma2 semaphore(%run_scoped3A : memref<!tpu.dma_semaphore, #tpu.memory_space<semaphore_mem>>) src(%dma_wait3A_105 : memref<520x128xf32, #tpu.memory_space<vmem_shared>>) dst(%dma_wait3A_102 : memref<520x128xf32, #tpu.memory_space<hbm>>)
        tpu.yield
      }) : () -> ()
    } else {
    }
    return
  }
}

#map = affine_map<(d0, d1) -> (0, 0)>
#map1 = affine_map<(d0, d1) -> (0, 0, 0)>
module attributes {stable_mosaic.version = 14 : i64} {
  func.func @_edge_accum(%arg0: i32, %arg1: i32, %arg2: memref<270000x128xf32, #tpu.memory_space<hbm>>, %arg3: memref<32x125x80xi32, #tpu.memory_space<hbm>>, %arg4: memref<32x125x80xi32, #tpu.memory_space<hbm>>, %arg5: memref<2x10000x128xf32, #tpu.memory_space<hbm>>, %arg6: memref<125x80xi32, #tpu.memory_space<vmem>>, %arg7: memref<125x80xi32, #tpu.memory_space<vmem>>, %arg8: memref<80x128xf32, #tpu.memory_space<vmem>>, %arg9: memref<80x128xf32, #tpu.memory_space<vmem>>, %arg10: memref<8x128xf32, #tpu.memory_space<vmem>>, %arg11: memref<!tpu.dma_semaphore, #tpu.memory_space<semaphore_mem>>, %arg12: memref<!tpu.dma_semaphore, #tpu.memory_space<semaphore_mem>>, %arg13: memref<10000x128xf32, #tpu.memory_space<vmem_shared>>) attributes {dimension_semantics = [#tpu.dimension_semantics<core_parallel>, #tpu.dimension_semantics<subcore_parallel>], iteration_bounds = array<i64: 2, 16>, scalar_prefetch = 0 : i64, scratch_operands = 8 : i64, tpu.core_type = #tpu.core_type<sc_vector_subcore>, window_params = [{transform_indices = #map}, {transform_indices = #map1}, {transform_indices = #map1}, {transform_indices = #map1}]} {
    %mul3A = arith.constant 2 : i32
    %mul3A_0 = arith.muli %arg1, %mul3A : i32
    %add3A = arith.addi %mul3A_0, %arg0 : i32
    "tpu.region"() ({
      %run_scoped3A = tpu.sem_alloc : memref<!tpu.dma_semaphore, #tpu.memory_space<semaphore_mem>>
      %dma_start3A_87 = arith.constant 0 : i32
      %dma_start3A_88 = arith.constant 0 : i32
      %dma_start3A_89 = tpu.memref_slice %arg3[%add3A, %dma_start3A_87, %dma_start3A_88] : memref<32x125x80xi32, #tpu.memory_space<hbm>> -> memref<1x125x80xi32, #tpu.memory_space<hbm>>
      %dma_start3A_90 = tpu.memref_squeeze %dma_start3A_89 : memref<1x125x80xi32, #tpu.memory_space<hbm>> -> memref<125x80xi32, #tpu.memory_space<hbm>>
      %dma_start3A_91 = arith.constant 0 : i32
      %dma_start3A_92 = arith.constant 0 : i32
      %dma_start3A_93 = tpu.memref_slice %arg3[%add3A, %dma_start3A_91, %dma_start3A_92] : memref<32x125x80xi32, #tpu.memory_space<hbm>> -> memref<1x125x80xi32, #tpu.memory_space<hbm>>
      %dma_start3A_94 = tpu.memref_squeeze %dma_start3A_93 : memref<1x125x80xi32, #tpu.memory_space<hbm>> -> memref<125x80xi32, #tpu.memory_space<hbm>>
      tpu.enqueue_dma source(%dma_start3A_94 : memref<125x80xi32, #tpu.memory_space<hbm>>) target(%arg6 : memref<125x80xi32, #tpu.memory_space<vmem>>) target_semaphore(%run_scoped3A : memref<!tpu.dma_semaphore, #tpu.memory_space<semaphore_mem>>)
      %dma_wait3A = arith.constant 0 : i32
      %dma_wait3A_95 = arith.constant 0 : i32
      %dma_wait3A_96 = tpu.memref_slice %arg3[%add3A, %dma_wait3A, %dma_wait3A_95] : memref<32x125x80xi32, #tpu.memory_space<hbm>> -> memref<1x125x80xi32, #tpu.memory_space<hbm>>
      %dma_wait3A_97 = tpu.memref_squeeze %dma_wait3A_96 : memref<1x125x80xi32, #tpu.memory_space<hbm>> -> memref<125x80xi32, #tpu.memory_space<hbm>>
      %dma_wait3A_98 = arith.constant 0 : i32
      %dma_wait3A_99 = arith.constant 0 : i32
      %dma_wait3A_100 = tpu.memref_slice %arg3[%add3A, %dma_wait3A_98, %dma_wait3A_99] : memref<32x125x80xi32, #tpu.memory_space<hbm>> -> memref<1x125x80xi32, #tpu.memory_space<hbm>>
      %dma_wait3A_101 = tpu.memref_squeeze %dma_wait3A_100 : memref<1x125x80xi32, #tpu.memory_space<hbm>> -> memref<125x80xi32, #tpu.memory_space<hbm>>
      tpu.wait_dma2 semaphore(%run_scoped3A : memref<!tpu.dma_semaphore, #tpu.memory_space<semaphore_mem>>) src(%dma_wait3A_101 : memref<125x80xi32, #tpu.memory_space<hbm>>) dst(%arg6 : memref<125x80xi32, #tpu.memory_space<vmem>>)
      tpu.yield
    }) : () -> ()
    "tpu.region"() ({
      %run_scoped3A = tpu.sem_alloc : memref<!tpu.dma_semaphore, #tpu.memory_space<semaphore_mem>>
      %dma_start3A_87 = arith.constant 0 : i32
      %dma_start3A_88 = arith.constant 0 : i32
      %dma_start3A_89 = tpu.memref_slice %arg4[%add3A, %dma_start3A_87, %dma_start3A_88] : memref<32x125x80xi32, #tpu.memory_space<hbm>> -> memref<1x125x80xi32, #tpu.memory_space<hbm>>
      %dma_start3A_90 = tpu.memref_squeeze %dma_start3A_89 : memref<1x125x80xi32, #tpu.memory_space<hbm>> -> memref<125x80xi32, #tpu.memory_space<hbm>>
      %dma_start3A_91 = arith.constant 0 : i32
      %dma_start3A_92 = arith.constant 0 : i32
      %dma_start3A_93 = tpu.memref_slice %arg4[%add3A, %dma_start3A_91, %dma_start3A_92] : memref<32x125x80xi32, #tpu.memory_space<hbm>> -> memref<1x125x80xi32, #tpu.memory_space<hbm>>
      %dma_start3A_94 = tpu.memref_squeeze %dma_start3A_93 : memref<1x125x80xi32, #tpu.memory_space<hbm>> -> memref<125x80xi32, #tpu.memory_space<hbm>>
      tpu.enqueue_dma source(%dma_start3A_94 : memref<125x80xi32, #tpu.memory_space<hbm>>) target(%arg7 : memref<125x80xi32, #tpu.memory_space<vmem>>) target_semaphore(%run_scoped3A : memref<!tpu.dma_semaphore, #tpu.memory_space<semaphore_mem>>)
      %dma_wait3A = arith.constant 0 : i32
      %dma_wait3A_95 = arith.constant 0 : i32
      %dma_wait3A_96 = tpu.memref_slice %arg4[%add3A, %dma_wait3A, %dma_wait3A_95] : memref<32x125x80xi32, #tpu.memory_space<hbm>> -> memref<1x125x80xi32, #tpu.memory_space<hbm>>
      %dma_wait3A_97 = tpu.memref_squeeze %dma_wait3A_96 : memref<1x125x80xi32, #tpu.memory_space<hbm>> -> memref<125x80xi32, #tpu.memory_space<hbm>>
      %dma_wait3A_98 = arith.constant 0 : i32
      %dma_wait3A_99 = arith.constant 0 : i32
      %dma_wait3A_100 = tpu.memref_slice %arg4[%add3A, %dma_wait3A_98, %dma_wait3A_99] : memref<32x125x80xi32, #tpu.memory_space<hbm>> -> memref<1x125x80xi32, #tpu.memory_space<hbm>>
      %dma_wait3A_101 = tpu.memref_squeeze %dma_wait3A_100 : memref<1x125x80xi32, #tpu.memory_space<hbm>> -> memref<125x80xi32, #tpu.memory_space<hbm>>
      tpu.wait_dma2 semaphore(%run_scoped3A : memref<!tpu.dma_semaphore, #tpu.memory_space<semaphore_mem>>) src(%dma_wait3A_101 : memref<125x80xi32, #tpu.memory_space<hbm>>) dst(%arg7 : memref<125x80xi32, #tpu.memory_space<vmem>>)
      tpu.yield
    }) : () -> ()
    %broadcast_in_dim3A = arith.constant 0.000000e+00 : f32
    %broadcast_in_dim3A_1 = vector.broadcast %broadcast_in_dim3A : f32 to vector<16xf32>
    %scan3A = arith.constant 0 : i32
    %scan3A_2 = arith.constant 0 : i32
    %scan3A_3 = arith.constant 8 : i32
    %scan3A_4 = arith.addi %scan3A_2, %scan3A_3 : i32
    %scan3A_5 = arith.constant 1 : i32
    %scan3A_6 = scf.for %scan3A_87 = %scan3A_2 to %scan3A_4 step %scan3A_5 iter_args(%scan3A_88 = %scan3A) -> (i32)  : i32 {
      %mul3A_89 = arith.constant 16 : i32
      %mul3A_90 = arith.muli %scan3A_87, %mul3A_89 : i32
      %swap3A = arith.constant 0 : i32
      %swap3A_91 = arith.index_cast %swap3A : i32 to index
      %swap3A_92 = arith.index_cast %mul3A_90 : i32 to index
      %swap3A_93 = tpu.vector_load %arg10[%swap3A_91, %swap3A_92] {strides = array<i32>} : memref<8x128xf32, #tpu.memory_space<vmem>>, vector<1x16xf32>,
      %swap3A_94 = vector.shape_cast %swap3A_93 : vector<1x16xf32> to vector<16xf32>
      %swap3A_95 = vector.shape_cast %broadcast_in_dim3A_1 : vector<16xf32> to vector<1x16xf32>
      tpu.vector_store %arg10[%swap3A_91, %swap3A_92], %swap3A_95 {strides = array<i32>} : memref<8x128xf32, #tpu.memory_space<vmem>>, vector<1x16xf32>,
      %scan3A_96 = arith.constant 0 : i32
      scf.yield %scan3A_96 : i32
    }
    %scan3A_7 = arith.constant 8 : i32
    %scan3A_8 = arith.constant 0 : i32
    %scan3A_9 = arith.constant 0 : i32
    %scan3A_10 = arith.constant 8 : i32
    %scan3A_11 = arith.addi %scan3A_9, %scan3A_10 : i32
    %scan3A_12 = arith.constant 1 : i32
    %scan3A_13 = scf.for %scan3A_87 = %scan3A_9 to %scan3A_11 step %scan3A_12 iter_args(%scan3A_88 = %scan3A_8) -> (i32)  : i32 {
      %mul3A_89 = arith.constant 16 : i32
      %mul3A_90 = arith.muli %scan3A_87, %mul3A_89 : i32
      %swap3A = arith.constant 1 : i32
      %swap3A_91 = arith.index_cast %swap3A : i32 to index
      %swap3A_92 = arith.index_cast %mul3A_90 : i32 to index
      %swap3A_93 = tpu.vector_load %arg10[%swap3A_91, %swap3A_92] {strides = array<i32>} : memref<8x128xf32, #tpu.memory_space<vmem>>, vector<1x16xf32>,
      %swap3A_94 = vector.shape_cast %swap3A_93 : vector<1x16xf32> to vector<16xf32>
      %swap3A_95 = vector.shape_cast %broadcast_in_dim3A_1 : vector<16xf32> to vector<1x16xf32>
      tpu.vector_store %arg10[%swap3A_91, %swap3A_92], %swap3A_95 {strides = array<i32>} : memref<8x128xf32, #tpu.memory_space<vmem>>, vector<1x16xf32>,
      %scan3A_96 = arith.constant 0 : i32
      scf.yield %scan3A_96 : i32
    }
    %scan3A_14 = arith.constant 8 : i32
    %scan3A_15 = arith.constant 0 : i32
    %scan3A_16 = arith.constant 0 : i32
    %scan3A_17 = arith.constant 8 : i32
    %scan3A_18 = arith.addi %scan3A_16, %scan3A_17 : i32
    %scan3A_19 = arith.constant 1 : i32
    %scan3A_20 = scf.for %scan3A_87 = %scan3A_16 to %scan3A_18 step %scan3A_19 iter_args(%scan3A_88 = %scan3A_15) -> (i32)  : i32 {
      %mul3A_89 = arith.constant 16 : i32
      %mul3A_90 = arith.muli %scan3A_87, %mul3A_89 : i32
      %swap3A = arith.constant 2 : i32
      %swap3A_91 = arith.index_cast %swap3A : i32 to index
      %swap3A_92 = arith.index_cast %mul3A_90 : i32 to index
      %swap3A_93 = tpu.vector_load %arg10[%swap3A_91, %swap3A_92] {strides = array<i32>} : memref<8x128xf32, #tpu.memory_space<vmem>>, vector<1x16xf32>,
      %swap3A_94 = vector.shape_cast %swap3A_93 : vector<1x16xf32> to vector<16xf32>
      %swap3A_95 = vector.shape_cast %broadcast_in_dim3A_1 : vector<16xf32> to vector<1x16xf32>
      tpu.vector_store %arg10[%swap3A_91, %swap3A_92], %swap3A_95 {strides = array<i32>} : memref<8x128xf32, #tpu.memory_space<vmem>>, vector<1x16xf32>,
      %scan3A_96 = arith.constant 0 : i32
      scf.yield %scan3A_96 : i32
    }
    %scan3A_21 = arith.constant 8 : i32
    %scan3A_22 = arith.constant 0 : i32
    %scan3A_23 = arith.constant 0 : i32
    %scan3A_24 = arith.constant 8 : i32
    %scan3A_25 = arith.addi %scan3A_23, %scan3A_24 : i32
    %scan3A_26 = arith.constant 1 : i32
    %scan3A_27 = scf.for %scan3A_87 = %scan3A_23 to %scan3A_25 step %scan3A_26 iter_args(%scan3A_88 = %scan3A_22) -> (i32)  : i32 {
      %mul3A_89 = arith.constant 16 : i32
      %mul3A_90 = arith.muli %scan3A_87, %mul3A_89 : i32
      %swap3A = arith.constant 3 : i32
      %swap3A_91 = arith.index_cast %swap3A : i32 to index
      %swap3A_92 = arith.index_cast %mul3A_90 : i32 to index
      %swap3A_93 = tpu.vector_load %arg10[%swap3A_91, %swap3A_92] {strides = array<i32>} : memref<8x128xf32, #tpu.memory_space<vmem>>, vector<1x16xf32>,
      %swap3A_94 = vector.shape_cast %swap3A_93 : vector<1x16xf32> to vector<16xf32>
      %swap3A_95 = vector.shape_cast %broadcast_in_dim3A_1 : vector<16xf32> to vector<1x16xf32>
      tpu.vector_store %arg10[%swap3A_91, %swap3A_92], %swap3A_95 {strides = array<i32>} : memref<8x128xf32, #tpu.memory_space<vmem>>, vector<1x16xf32>,
      %scan3A_96 = arith.constant 0 : i32
      scf.yield %scan3A_96 : i32
    }
    %scan3A_28 = arith.constant 8 : i32
    %scan3A_29 = arith.constant 0 : i32
    %scan3A_30 = arith.constant 0 : i32
    %scan3A_31 = arith.constant 8 : i32
    %scan3A_32 = arith.addi %scan3A_30, %scan3A_31 : i32
    %scan3A_33 = arith.constant 1 : i32
    %scan3A_34 = scf.for %scan3A_87 = %scan3A_30 to %scan3A_32 step %scan3A_33 iter_args(%scan3A_88 = %scan3A_29) -> (i32)  : i32 {
      %mul3A_89 = arith.constant 16 : i32
      %mul3A_90 = arith.muli %scan3A_87, %mul3A_89 : i32
      %swap3A = arith.constant 4 : i32
      %swap3A_91 = arith.index_cast %swap3A : i32 to index
      %swap3A_92 = arith.index_cast %mul3A_90 : i32 to index
      %swap3A_93 = tpu.vector_load %arg10[%swap3A_91, %swap3A_92] {strides = array<i32>} : memref<8x128xf32, #tpu.memory_space<vmem>>, vector<1x16xf32>,
      %swap3A_94 = vector.shape_cast %swap3A_93 : vector<1x16xf32> to vector<16xf32>
      %swap3A_95 = vector.shape_cast %broadcast_in_dim3A_1 : vector<16xf32> to vector<1x16xf32>
      tpu.vector_store %arg10[%swap3A_91, %swap3A_92], %swap3A_95 {strides = array<i32>} : memref<8x128xf32, #tpu.memory_space<vmem>>, vector<1x16xf32>,
      %scan3A_96 = arith.constant 0 : i32
      scf.yield %scan3A_96 : i32
    }
    %scan3A_35 = arith.constant 8 : i32
    %scan3A_36 = arith.constant 0 : i32
    %scan3A_37 = arith.constant 0 : i32
    %scan3A_38 = arith.constant 8 : i32
    %scan3A_39 = arith.addi %scan3A_37, %scan3A_38 : i32
    %scan3A_40 = arith.constant 1 : i32
    %scan3A_41 = scf.for %scan3A_87 = %scan3A_37 to %scan3A_39 step %scan3A_40 iter_args(%scan3A_88 = %scan3A_36) -> (i32)  : i32 {
      %mul3A_89 = arith.constant 16 : i32
      %mul3A_90 = arith.muli %scan3A_87, %mul3A_89 : i32
      %swap3A = arith.constant 5 : i32
      %swap3A_91 = arith.index_cast %swap3A : i32 to index
      %swap3A_92 = arith.index_cast %mul3A_90 : i32 to index
      %swap3A_93 = tpu.vector_load %arg10[%swap3A_91, %swap3A_92] {strides = array<i32>} : memref<8x128xf32, #tpu.memory_space<vmem>>, vector<1x16xf32>,
      %swap3A_94 = vector.shape_cast %swap3A_93 : vector<1x16xf32> to vector<16xf32>
      %swap3A_95 = vector.shape_cast %broadcast_in_dim3A_1 : vector<16xf32> to vector<1x16xf32>
      tpu.vector_store %arg10[%swap3A_91, %swap3A_92], %swap3A_95 {strides = array<i32>} : memref<8x128xf32, #tpu.memory_space<vmem>>, vector<1x16xf32>,
      %scan3A_96 = arith.constant 0 : i32
      scf.yield %scan3A_96 : i32
    }
    %scan3A_42 = arith.constant 8 : i32
    %scan3A_43 = arith.constant 0 : i32
    %scan3A_44 = arith.constant 0 : i32
    %scan3A_45 = arith.constant 8 : i32
    %scan3A_46 = arith.addi %scan3A_44, %scan3A_45 : i32
    %scan3A_47 = arith.constant 1 : i32
    %scan3A_48 = scf.for %scan3A_87 = %scan3A_44 to %scan3A_46 step %scan3A_47 iter_args(%scan3A_88 = %scan3A_43) -> (i32)  : i32 {
      %mul3A_89 = arith.constant 16 : i32
      %mul3A_90 = arith.muli %scan3A_87, %mul3A_89 : i32
      %swap3A = arith.constant 6 : i32
      %swap3A_91 = arith.index_cast %swap3A : i32 to index
      %swap3A_92 = arith.index_cast %mul3A_90 : i32 to index
      %swap3A_93 = tpu.vector_load %arg10[%swap3A_91, %swap3A_92] {strides = array<i32>} : memref<8x128xf32, #tpu.memory_space<vmem>>, vector<1x16xf32>,
      %swap3A_94 = vector.shape_cast %swap3A_93 : vector<1x16xf32> to vector<16xf32>
      %swap3A_95 = vector.shape_cast %broadcast_in_dim3A_1 : vector<16xf32> to vector<1x16xf32>
      tpu.vector_store %arg10[%swap3A_91, %swap3A_92], %swap3A_95 {strides = array<i32>} : memref<8x128xf32, #tpu.memory_space<vmem>>, vector<1x16xf32>,
      %scan3A_96 = arith.constant 0 : i32
      scf.yield %scan3A_96 : i32
    }
    %scan3A_49 = arith.constant 8 : i32
    %scan3A_50 = arith.constant 0 : i32
    %scan3A_51 = arith.constant 0 : i32
    %scan3A_52 = arith.constant 8 : i32
    %scan3A_53 = arith.addi %scan3A_51, %scan3A_52 : i32
    %scan3A_54 = arith.constant 1 : i32
    %scan3A_55 = scf.for %scan3A_87 = %scan3A_51 to %scan3A_53 step %scan3A_54 iter_args(%scan3A_88 = %scan3A_50) -> (i32)  : i32 {
      %mul3A_89 = arith.constant 16 : i32
      %mul3A_90 = arith.muli %scan3A_87, %mul3A_89 : i32
      %swap3A = arith.constant 7 : i32
      %swap3A_91 = arith.index_cast %swap3A : i32 to index
      %swap3A_92 = arith.index_cast %mul3A_90 : i32 to index
      %swap3A_93 = tpu.vector_load %arg10[%swap3A_91, %swap3A_92] {strides = array<i32>} : memref<8x128xf32, #tpu.memory_space<vmem>>, vector<1x16xf32>,
      %swap3A_94 = vector.shape_cast %swap3A_93 : vector<1x16xf32> to vector<16xf32>
      %swap3A_95 = vector.shape_cast %broadcast_in_dim3A_1 : vector<16xf32> to vector<1x16xf32>
      tpu.vector_store %arg10[%swap3A_91, %swap3A_92], %swap3A_95 {strides = array<i32>} : memref<8x128xf32, #tpu.memory_space<vmem>>, vector<1x16xf32>,
      %scan3A_96 = arith.constant 0 : i32
      scf.yield %scan3A_96 : i32
    }
    %scan3A_56 = arith.constant 8 : i32
    %lt3A = arith.constant 15 : i32
    %lt3A_57 = arith.cmpi slt, %arg1, %lt3A : i32
    %convert_element_type3A = arith.extui %lt3A_57 : i1 to i32
    %cond3A = arith.constant 0 : i32
    %cond3A_58 = arith.cmpi ne, %convert_element_type3A, %cond3A : i32
    scf.if %cond3A_58 {
      %scan3A_87 = arith.constant 0 : i32
      %scan3A_88 = arith.constant 0 : i32
      %scan3A_89 = arith.constant 79 : i32
      %scan3A_90 = arith.addi %scan3A_88, %scan3A_89 : i32
      %scan3A_91 = arith.constant 1 : i32
      %scan3A_92 = scf.for %scan3A_94 = %scan3A_88 to %scan3A_90 step %scan3A_91 iter_args(%scan3A_95 = %scan3A_87) -> (i32)  : i32 {
        %mul3A_96 = arith.constant 632 : i32
        %mul3A_97 = arith.muli %arg1, %mul3A_96 : i32
        %mul3A_98 = arith.constant 8 : i32
        %mul3A_99 = arith.muli %scan3A_94, %mul3A_98 : i32
        %add3A_100 = arith.addi %mul3A_97, %mul3A_99 : i32
        "tpu.region"() ({
          %run_scoped3A = tpu.sem_alloc : memref<!tpu.dma_semaphore, #tpu.memory_space<semaphore_mem>>
          %dma_start3A_102 = arith.constant 0 : i32
          %dma_start3A_103 = tpu.memref_slice %arg13[%add3A_100, %dma_start3A_102] : memref<10000x128xf32, #tpu.memory_space<vmem_shared>> -> memref<8x128xf32, #tpu.memory_space<vmem_shared>>
          %dma_start3A_104 = arith.constant 0 : i32
          %dma_start3A_105 = tpu.memref_slice %arg13[%add3A_100, %dma_start3A_104] : memref<10000x128xf32, #tpu.memory_space<vmem_shared>> -> memref<8x128xf32, #tpu.memory_space<vmem_shared>>
          tpu.enqueue_dma source(%arg10 : memref<8x128xf32, #tpu.memory_space<vmem>>) target(%dma_start3A_105 : memref<8x128xf32, #tpu.memory_space<vmem_shared>>) target_semaphore(%run_scoped3A : memref<!tpu.dma_semaphore, #tpu.memory_space<semaphore_mem>>)
          %dma_wait3A = arith.constant 0 : i32
          %dma_wait3A_106 = tpu.memref_slice %arg13[%add3A_100, %dma_wait3A] : memref<10000x128xf32, #tpu.memory_space<vmem_shared>> -> memref<8x128xf32, #tpu.memory_space<vmem_shared>>
          %dma_wait3A_107 = arith.constant 0 : i32
          %dma_wait3A_108 = tpu.memref_slice %arg13[%add3A_100, %dma_wait3A_107] : memref<10000x128xf32, #tpu.memory_space<vmem_shared>> -> memref<8x128xf32, #tpu.memory_space<vmem_shared>>
          tpu.wait_dma2 semaphore(%run_scoped3A : memref<!tpu.dma_semaphore, #tpu.memory_space<semaphore_mem>>) src(%arg10 : memref<8x128xf32, #tpu.memory_space<vmem>>) dst(%dma_wait3A_108 : memref<8x128xf32, #tpu.memory_space<vmem_shared>>)
          tpu.yield
        }) : () -> ()
        %scan3A_101 = arith.constant 0 : i32
        scf.yield %scan3A_101 : i32
      }
      %scan3A_93 = arith.constant 79 : i32
    } else {
    }
    %eq3A = arith.constant 15 : i32
    %eq3A_59 = arith.cmpi eq, %arg1, %eq3A : i32
    %convert_element_type3A_60 = arith.extui %eq3A_59 : i1 to i32
    %cond3A_61 = arith.constant 0 : i32
    %cond3A_62 = arith.cmpi ne, %convert_element_type3A_60, %cond3A_61 : i32
    scf.if %cond3A_62 {
      %scan3A_87 = arith.constant 0 : i32
      %scan3A_88 = arith.constant 0 : i32
      %scan3A_89 = arith.constant 65 : i32
      %scan3A_90 = arith.addi %scan3A_88, %scan3A_89 : i32
      %scan3A_91 = arith.constant 1 : i32
      %scan3A_92 = scf.for %scan3A_94 = %scan3A_88 to %scan3A_90 step %scan3A_91 iter_args(%scan3A_95 = %scan3A_87) -> (i32)  : i32 {
        %mul3A_96 = arith.constant 8 : i32
        %mul3A_97 = arith.muli %scan3A_94, %mul3A_96 : i32
        %add3A_98 = arith.constant 9480 : i32
        %add3A_99 = arith.addi %add3A_98, %mul3A_97 : i32
        "tpu.region"() ({
          %run_scoped3A = tpu.sem_alloc : memref<!tpu.dma_semaphore, #tpu.memory_space<semaphore_mem>>
          %dma_start3A_101 = arith.constant 0 : i32
          %dma_start3A_102 = tpu.memref_slice %arg13[%add3A_99, %dma_start3A_101] : memref<10000x128xf32, #tpu.memory_space<vmem_shared>> -> memref<8x128xf32, #tpu.memory_space<vmem_shared>>
          %dma_start3A_103 = arith.constant 0 : i32
          %dma_start3A_104 = tpu.memref_slice %arg13[%add3A_99, %dma_start3A_103] : memref<10000x128xf32, #tpu.memory_space<vmem_shared>> -> memref<8x128xf32, #tpu.memory_space<vmem_shared>>
          tpu.enqueue_dma source(%arg10 : memref<8x128xf32, #tpu.memory_space<vmem>>) target(%dma_start3A_104 : memref<8x128xf32, #tpu.memory_space<vmem_shared>>) target_semaphore(%run_scoped3A : memref<!tpu.dma_semaphore, #tpu.memory_space<semaphore_mem>>)
          %dma_wait3A = arith.constant 0 : i32
          %dma_wait3A_105 = tpu.memref_slice %arg13[%add3A_99, %dma_wait3A] : memref<10000x128xf32, #tpu.memory_space<vmem_shared>> -> memref<8x128xf32, #tpu.memory_space<vmem_shared>>
          %dma_wait3A_106 = arith.constant 0 : i32
          %dma_wait3A_107 = tpu.memref_slice %arg13[%add3A_99, %dma_wait3A_106] : memref<10000x128xf32, #tpu.memory_space<vmem_shared>> -> memref<8x128xf32, #tpu.memory_space<vmem_shared>>
          tpu.wait_dma2 semaphore(%run_scoped3A : memref<!tpu.dma_semaphore, #tpu.memory_space<semaphore_mem>>) src(%arg10 : memref<8x128xf32, #tpu.memory_space<vmem>>) dst(%dma_wait3A_107 : memref<8x128xf32, #tpu.memory_space<vmem_shared>>)
          tpu.yield
        }) : () -> ()
        %scan3A_100 = arith.constant 0 : i32
        scf.yield %scan3A_100 : i32
      }
      %scan3A_93 = arith.constant 65 : i32
    } else {
    }
    %barrier3A = arith.constant 0 : index
    tpu.barrier barrier_id(%barrier3A)
    %dma_start3A = arith.constant 0 : i32
    %dma_start3A_63 = arith.constant 0 : i32
    %dma_start3A_64 = tpu.memref_slice %arg6[%dma_start3A, %dma_start3A_63] : memref<125x80xi32, #tpu.memory_space<vmem>> -> memref<1x80xi32, #tpu.memory_space<vmem>>
    %dma_start3A_65 = tpu.memref_squeeze %dma_start3A_64 : memref<1x80xi32, #tpu.memory_space<vmem>> -> memref<80xi32, #tpu.memory_space<vmem>>
    %dma_start3A_66 = arith.constant 0 : i32
    %dma_start3A_67 = arith.constant 0 : i32
    %dma_start3A_68 = tpu.memref_slice %arg2[%dma_start3A_66, %dma_start3A_67] : memref<270000x128xf32, #tpu.memory_space<hbm>> -> memref<270000x128xf32, #tpu.memory_space<hbm>>
    tpu.enqueue_indirect_dma source(%dma_start3A_68 : memref<270000x128xf32, #tpu.memory_space<hbm>>) target(%arg8 : memref<80x128xf32, #tpu.memory_space<vmem>>) offsets(%dma_start3A_65 : memref<80xi32, #tpu.memory_space<vmem>>) semaphore(%arg11 : memref<!tpu.dma_semaphore, #tpu.memory_space<semaphore_mem>>)
    %scan3A_69 = arith.constant 0 : i32
    %scan3A_70 = arith.constant 0 : i32
    %scan3A_71 = arith.constant 125 : i32
    %scan3A_72 = arith.addi %scan3A_70, %scan3A_71 : i32
    %scan3A_73 = arith.constant 1 : i32
    %scan3A_74 = scf.for %scan3A_87 = %scan3A_70 to %scan3A_72 step %scan3A_73 iter_args(%scan3A_88 = %scan3A_69) -> (i32)  : i32 {
      %jit3A = arith.constant 2 : i32
      %eq3A_89 = arith.constant 0 : i32
      %eq3A_90 = arith.cmpi eq, %jit3A, %eq3A_89 : i32
      %jit3A_91 = arith.constant 1 : i32
      %select_n3A = arith.select %eq3A_90, %jit3A_91, %jit3A : i32
      %rem3A = arith.remsi %scan3A_87, %select_n3A : i32
      %ne3A = arith.constant 0 : i32
      %ne3A_92 = arith.cmpi ne, %rem3A, %ne3A : i32
      %lt3A_93 = arith.constant 0 : i32
      %lt3A_94 = arith.cmpi slt, %rem3A, %lt3A_93 : i32
      %lt3A_95 = arith.constant 0 : i32
      %lt3A_96 = arith.cmpi slt, %select_n3A, %lt3A_95 : i32
      %ne3A_97 = arith.xori %lt3A_94, %lt3A_96 : i1
      %and3A = arith.andi %ne3A_97, %ne3A_92 : i1
      %add3A_98 = arith.addi %rem3A, %select_n3A : i32
      %select_n3A_99 = arith.select %and3A, %add3A_98, %rem3A : i32
      %eq3A_100 = arith.constant 0 : i32
      %eq3A_101 = arith.cmpi eq, %select_n3A_99, %eq3A_100 : i32
      %convert_element_type3A_102 = arith.extui %eq3A_101 : i1 to i32
      %cond3A_103 = arith.constant 0 : i32
      %cond3A_104 = arith.cmpi ne, %convert_element_type3A_102, %cond3A_103 : i32
      scf.if %cond3A_104 {
        %add3A_127 = arith.constant 1 : i32
        %add3A_128 = arith.addi %scan3A_87, %add3A_127 : i32
        %lt3A_129 = arith.constant 125 : i32
        %lt3A_130 = arith.cmpi slt, %add3A_128, %lt3A_129 : i32
        %convert_element_type3A_131 = arith.extui %lt3A_130 : i1 to i32
        %cond3A_132 = arith.constant 0 : i32
        %cond3A_133 = arith.cmpi ne, %convert_element_type3A_131, %cond3A_132 : i32
        scf.if %cond3A_133 {
          %add3A_140 = arith.constant 1 : i32
          %add3A_141 = arith.addi %scan3A_87, %add3A_140 : i32
          %dma_start3A_142 = arith.constant 0 : i32
          %dma_start3A_143 = tpu.memref_slice %arg6[%add3A_141, %dma_start3A_142] : memref<125x80xi32, #tpu.memory_space<vmem>> -> memref<1x80xi32, #tpu.memory_space<vmem>>
          %dma_start3A_144 = tpu.memref_squeeze %dma_start3A_143 : memref<1x80xi32, #tpu.memory_space<vmem>> -> memref<80xi32, #tpu.memory_space<vmem>>
          %dma_start3A_145 = arith.constant 0 : i32
          %dma_start3A_146 = arith.constant 0 : i32
          %dma_start3A_147 = tpu.memref_slice %arg2[%dma_start3A_145, %dma_start3A_146] : memref<270000x128xf32, #tpu.memory_space<hbm>> -> memref<270000x128xf32, #tpu.memory_space<hbm>>
          tpu.enqueue_indirect_dma source(%dma_start3A_147 : memref<270000x128xf32, #tpu.memory_space<hbm>>) target(%arg9 : memref<80x128xf32, #tpu.memory_space<vmem>>) offsets(%dma_start3A_144 : memref<80xi32, #tpu.memory_space<vmem>>) semaphore(%arg12 : memref<!tpu.dma_semaphore, #tpu.memory_space<semaphore_mem>>)
        } else {
        }
        %dma_wait3A = arith.constant 0 : i32
        %dma_wait3A_134 = arith.constant 0 : i32
        %dma_wait3A_135 = tpu.memref_slice %arg6[%dma_wait3A, %dma_wait3A_134] : memref<125x80xi32, #tpu.memory_space<vmem>> -> memref<1x80xi32, #tpu.memory_space<vmem>>
        %dma_wait3A_136 = tpu.memref_squeeze %dma_wait3A_135 : memref<1x80xi32, #tpu.memory_space<vmem>> -> memref<80xi32, #tpu.memory_space<vmem>>
        %dma_wait3A_137 = arith.constant 0 : i32
        %dma_wait3A_138 = arith.constant 0 : i32
        %dma_wait3A_139 = tpu.memref_slice %arg2[%dma_wait3A_137, %dma_wait3A_138] : memref<270000x128xf32, #tpu.memory_space<hbm>> -> memref<270000x128xf32, #tpu.memory_space<hbm>>
        tpu.wait_indirect_dma semaphore(%arg11 : memref<!tpu.dma_semaphore, #tpu.memory_space<semaphore_mem>>) src(%dma_wait3A_139 : memref<270000x128xf32, #tpu.memory_space<hbm>>) dst(%arg8 : memref<80x128xf32, #tpu.memory_space<vmem>>)
        "tpu.region"() ({
          %run_scoped3A = tpu.sem_alloc : memref<!tpu.dma_semaphore, #tpu.memory_space<semaphore_mem>>
          %dma_start3A_140 = arith.constant 0 : i32
          %dma_start3A_141 = tpu.memref_slice %arg7[%scan3A_87, %dma_start3A_140] : memref<125x80xi32, #tpu.memory_space<vmem>> -> memref<1x80xi32, #tpu.memory_space<vmem>>
          %dma_start3A_142 = tpu.memref_squeeze %dma_start3A_141 : memref<1x80xi32, #tpu.memory_space<vmem>> -> memref<80xi32, #tpu.memory_space<vmem>>
          %dma_start3A_143 = arith.constant 0 : i32
          %dma_start3A_144 = arith.constant 0 : i32
          %dma_start3A_145 = tpu.memref_slice %arg13[%dma_start3A_143, %dma_start3A_144] : memref<10000x128xf32, #tpu.memory_space<vmem_shared>> -> memref<10000x128xf32, #tpu.memory_space<vmem_shared>>
          tpu.enqueue_indirect_dma source(%arg8 : memref<80x128xf32, #tpu.memory_space<vmem>>) target(%dma_start3A_145 : memref<10000x128xf32, #tpu.memory_space<vmem_shared>>) offsets(%dma_start3A_142 : memref<80xi32, #tpu.memory_space<vmem>>) semaphore(%run_scoped3A : memref<!tpu.dma_semaphore, #tpu.memory_space<semaphore_mem>>) {add = true}
          %dma_wait3A_146 = arith.constant 0 : i32
          %dma_wait3A_147 = tpu.memref_slice %arg7[%scan3A_87, %dma_wait3A_146] : memref<125x80xi32, #tpu.memory_space<vmem>> -> memref<1x80xi32, #tpu.memory_space<vmem>>
          %dma_wait3A_148 = tpu.memref_squeeze %dma_wait3A_147 : memref<1x80xi32, #tpu.memory_space<vmem>> -> memref<80xi32, #tpu.memory_space<vmem>>
          %dma_wait3A_149 = arith.constant 0 : i32
          %dma_wait3A_150 = arith.constant 0 : i32
          %dma_wait3A_151 = tpu.memref_slice %arg13[%dma_wait3A_149, %dma_wait3A_150] : memref<10000x128xf32, #tpu.memory_space<vmem_shared>> -> memref<10000x128xf32, #tpu.memory_space<vmem_shared>>
          tpu.wait_indirect_dma semaphore(%run_scoped3A : memref<!tpu.dma_semaphore, #tpu.memory_space<semaphore_mem>>) src(%arg8 : memref<80x128xf32, #tpu.memory_space<vmem>>) dst(%dma_wait3A_151 : memref<10000x128xf32, #tpu.memory_space<vmem_shared>>)
          tpu.yield
        }) : () -> ()
      } else {
      }
      %jit3A_105 = arith.constant 2 : i32
      %eq3A_106 = arith.constant 0 : i32
      %eq3A_107 = arith.cmpi eq, %jit3A_105, %eq3A_106 : i32
      %jit3A_108 = arith.constant 1 : i32
      %select_n3A_109 = arith.select %eq3A_107, %jit3A_108, %jit3A_105 : i32
      %rem3A_110 = arith.remsi %scan3A_87, %select_n3A_109 : i32
      %ne3A_111 = arith.constant 0 : i32
      %ne3A_112 = arith.cmpi ne, %rem3A_110, %ne3A_111 : i32
      %lt3A_113 = arith.constant 0 : i32
      %lt3A_114 = arith.cmpi slt, %rem3A_110, %lt3A_113 : i32
      %lt3A_115 = arith.constant 0 : i32
      %lt3A_116 = arith.cmpi slt, %select_n3A_109, %lt3A_115 : i32
      %ne3A_117 = arith.xori %lt3A_114, %lt3A_116 : i1
      %and3A_118 = arith.andi %ne3A_117, %ne3A_112 : i1
      %add3A_119 = arith.addi %rem3A_110, %select_n3A_109 : i32
      %select_n3A_120 = arith.select %and3A_118, %add3A_119, %rem3A_110 : i32
      %eq3A_121 = arith.constant 1 : i32
      %eq3A_122 = arith.cmpi eq, %select_n3A_120, %eq3A_121 : i32
      %convert_element_type3A_123 = arith.extui %eq3A_122 : i1 to i32
      %cond3A_124 = arith.constant 0 : i32
      %cond3A_125 = arith.cmpi ne, %convert_element_type3A_123, %cond3A_124 : i32
      scf.if %cond3A_125 {
        %add3A_127 = arith.constant 1 : i32
        %add3A_128 = arith.addi %scan3A_87, %add3A_127 : i32
        %lt3A_129 = arith.constant 125 : i32
        %lt3A_130 = arith.cmpi slt, %add3A_128, %lt3A_129 : i32
        %convert_element_type3A_131 = arith.extui %lt3A_130 : i1 to i32
        %cond3A_132 = arith.constant 0 : i32
        %cond3A_133 = arith.cmpi ne, %convert_element_type3A_131, %cond3A_132 : i32
        scf.if %cond3A_133 {
          %add3A_140 = arith.constant 1 : i32
          %add3A_141 = arith.addi %scan3A_87, %add3A_140 : i32
          %dma_start3A_142 = arith.constant 0 : i32
          %dma_start3A_143 = tpu.memref_slice %arg6[%add3A_141, %dma_start3A_142] : memref<125x80xi32, #tpu.memory_space<vmem>> -> memref<1x80xi32, #tpu.memory_space<vmem>>
          %dma_start3A_144 = tpu.memref_squeeze %dma_start3A_143 : memref<1x80xi32, #tpu.memory_space<vmem>> -> memref<80xi32, #tpu.memory_space<vmem>>
          %dma_start3A_145 = arith.constant 0 : i32
          %dma_start3A_146 = arith.constant 0 : i32
          %dma_start3A_147 = tpu.memref_slice %arg2[%dma_start3A_145, %dma_start3A_146] : memref<270000x128xf32, #tpu.memory_space<hbm>> -> memref<270000x128xf32, #tpu.memory_space<hbm>>
          tpu.enqueue_indirect_dma source(%dma_start3A_147 : memref<270000x128xf32, #tpu.memory_space<hbm>>) target(%arg8 : memref<80x128xf32, #tpu.memory_space<vmem>>) offsets(%dma_start3A_144 : memref<80xi32, #tpu.memory_space<vmem>>) semaphore(%arg11 : memref<!tpu.dma_semaphore, #tpu.memory_space<semaphore_mem>>)
        } else {
        }
        %dma_wait3A = arith.constant 0 : i32
        %dma_wait3A_134 = arith.constant 0 : i32
        %dma_wait3A_135 = tpu.memref_slice %arg6[%dma_wait3A, %dma_wait3A_134] : memref<125x80xi32, #tpu.memory_space<vmem>> -> memref<1x80xi32, #tpu.memory_space<vmem>>
        %dma_wait3A_136 = tpu.memref_squeeze %dma_wait3A_135 : memref<1x80xi32, #tpu.memory_space<vmem>> -> memref<80xi32, #tpu.memory_space<vmem>>
        %dma_wait3A_137 = arith.constant 0 : i32
        %dma_wait3A_138 = arith.constant 0 : i32
        %dma_wait3A_139 = tpu.memref_slice %arg2[%dma_wait3A_137, %dma_wait3A_138] : memref<270000x128xf32, #tpu.memory_space<hbm>> -> memref<270000x128xf32, #tpu.memory_space<hbm>>
        tpu.wait_indirect_dma semaphore(%arg12 : memref<!tpu.dma_semaphore, #tpu.memory_space<semaphore_mem>>) src(%dma_wait3A_139 : memref<270000x128xf32, #tpu.memory_space<hbm>>) dst(%arg9 : memref<80x128xf32, #tpu.memory_space<vmem>>)
        "tpu.region"() ({
          %run_scoped3A = tpu.sem_alloc : memref<!tpu.dma_semaphore, #tpu.memory_space<semaphore_mem>>
          %dma_start3A_140 = arith.constant 0 : i32
          %dma_start3A_141 = tpu.memref_slice %arg7[%scan3A_87, %dma_start3A_140] : memref<125x80xi32, #tpu.memory_space<vmem>> -> memref<1x80xi32, #tpu.memory_space<vmem>>
          %dma_start3A_142 = tpu.memref_squeeze %dma_start3A_141 : memref<1x80xi32, #tpu.memory_space<vmem>> -> memref<80xi32, #tpu.memory_space<vmem>>
          %dma_start3A_143 = arith.constant 0 : i32
          %dma_start3A_144 = arith.constant 0 : i32
          %dma_start3A_145 = tpu.memref_slice %arg13[%dma_start3A_143, %dma_start3A_144] : memref<10000x128xf32, #tpu.memory_space<vmem_shared>> -> memref<10000x128xf32, #tpu.memory_space<vmem_shared>>
          tpu.enqueue_indirect_dma source(%arg9 : memref<80x128xf32, #tpu.memory_space<vmem>>) target(%dma_start3A_145 : memref<10000x128xf32, #tpu.memory_space<vmem_shared>>) offsets(%dma_start3A_142 : memref<80xi32, #tpu.memory_space<vmem>>) semaphore(%run_scoped3A : memref<!tpu.dma_semaphore, #tpu.memory_space<semaphore_mem>>) {add = true}
          %dma_wait3A_146 = arith.constant 0 : i32
          %dma_wait3A_147 = tpu.memref_slice %arg7[%scan3A_87, %dma_wait3A_146] : memref<125x80xi32, #tpu.memory_space<vmem>> -> memref<1x80xi32, #tpu.memory_space<vmem>>
          %dma_wait3A_148 = tpu.memref_squeeze %dma_wait3A_147 : memref<1x80xi32, #tpu.memory_space<vmem>> -> memref<80xi32, #tpu.memory_space<vmem>>
          %dma_wait3A_149 = arith.constant 0 : i32
          %dma_wait3A_150 = arith.constant 0 : i32
          %dma_wait3A_151 = tpu.memref_slice %arg13[%dma_wait3A_149, %dma_wait3A_150] : memref<10000x128xf32, #tpu.memory_space<vmem_shared>> -> memref<10000x128xf32, #tpu.memory_space<vmem_shared>>
          tpu.wait_indirect_dma semaphore(%run_scoped3A : memref<!tpu.dma_semaphore, #tpu.memory_space<semaphore_mem>>) src(%arg9 : memref<80x128xf32, #tpu.memory_space<vmem>>) dst(%dma_wait3A_151 : memref<10000x128xf32, #tpu.memory_space<vmem_shared>>)
          tpu.yield
        }) : () -> ()
      } else {
      }
      %scan3A_126 = arith.constant 0 : i32
      scf.yield %scan3A_126 : i32
    }
    %scan3A_75 = arith.constant 125 : i32
    %barrier3A_76 = arith.constant 0 : index
    tpu.barrier barrier_id(%barrier3A_76)
    %lt3A_77 = arith.constant 15 : i32
    %lt3A_78 = arith.cmpi slt, %arg1, %lt3A_77 : i32
    %convert_element_type3A_79 = arith.extui %lt3A_78 : i1 to i32
    %cond3A_80 = arith.constant 0 : i32
    %cond3A_81 = arith.cmpi ne, %convert_element_type3A_79, %cond3A_80 : i32
    scf.if %cond3A_81 {
      %mul3A_87 = arith.constant 632 : i32
      %mul3A_88 = arith.muli %arg1, %mul3A_87 : i32
      %mul3A_89 = arith.constant 632 : i32
      %mul3A_90 = arith.muli %arg1, %mul3A_89 : i32
      "tpu.region"() ({
        %run_scoped3A = tpu.sem_alloc : memref<!tpu.dma_semaphore, #tpu.memory_space<semaphore_mem>>
        %dma_start3A_91 = arith.constant 0 : i32
        %dma_start3A_92 = arith.constant 0 : i32
        %dma_start3A_93 = tpu.memref_slice %arg5[%arg0, %dma_start3A_91, %dma_start3A_92] : memref<2x10000x128xf32, #tpu.memory_space<hbm>> -> memref<1x10000x128xf32, #tpu.memory_space<hbm>>
        %dma_start3A_94 = tpu.memref_squeeze %dma_start3A_93 : memref<1x10000x128xf32, #tpu.memory_space<hbm>> -> memref<10000x128xf32, #tpu.memory_space<hbm>>
        %dma_start3A_95 = arith.constant 0 : i32
        %dma_start3A_96 = tpu.memref_slice %dma_start3A_94[%mul3A_90, %dma_start3A_95] : memref<10000x128xf32, #tpu.memory_space<hbm>> -> memref<632x128xf32, #tpu.memory_space<hbm>>
        %dma_start3A_97 = arith.constant 0 : i32
        %dma_start3A_98 = tpu.memref_slice %arg13[%mul3A_88, %dma_start3A_97] : memref<10000x128xf32, #tpu.memory_space<vmem_shared>> -> memref<632x128xf32, #tpu.memory_space<vmem_shared>>
        tpu.enqueue_dma source(%dma_start3A_98 : memref<632x128xf32, #tpu.memory_space<vmem_shared>>) target(%dma_start3A_96 : memref<632x128xf32, #tpu.memory_space<hbm>>) target_semaphore(%run_scoped3A : memref<!tpu.dma_semaphore, #tpu.memory_space<semaphore_mem>>)
        %dma_wait3A = arith.constant 0 : i32
        %dma_wait3A_99 = arith.constant 0 : i32
        %dma_wait3A_100 = tpu.memref_slice %arg5[%arg0, %dma_wait3A, %dma_wait3A_99] : memref<2x10000x128xf32, #tpu.memory_space<hbm>> -> memref<1x10000x128xf32, #tpu.memory_space<hbm>>
        %dma_wait3A_101 = tpu.memref_squeeze %dma_wait3A_100 : memref<1x10000x128xf32, #tpu.memory_space<hbm>> -> memref<10000x128xf32, #tpu.memory_space<hbm>>
        %dma_wait3A_102 = arith.constant 0 : i32
        %dma_wait3A_103 = tpu.memref_slice %dma_wait3A_101[%mul3A_90, %dma_wait3A_102] : memref<10000x128xf32, #tpu.memory_space<hbm>> -> memref<632x128xf32, #tpu.memory_space<hbm>>
        %dma_wait3A_104 = arith.constant 0 : i32
        %dma_wait3A_105 = tpu.memref_slice %arg13[%mul3A_88, %dma_wait3A_104] : memref<10000x128xf32, #tpu.memory_space<vmem_shared>> -> memref<632x128xf32, #tpu.memory_space<vmem_shared>>
        tpu.wait_dma2 semaphore(%run_scoped3A : memref<!tpu.dma_semaphore, #tpu.memory_space<semaphore_mem>>) src(%dma_wait3A_105 : memref<632x128xf32, #tpu.memory_space<vmem_shared>>) dst(%dma_wait3A_103 : memref<632x128xf32, #tpu.memory_space<hbm>>)
        tpu.yield
      }) : () -> ()
    } else {
    }
    %eq3A_82 = arith.constant 15 : i32
    %eq3A_83 = arith.cmpi eq, %arg1, %eq3A_82 : i32
    %convert_element_type3A_84 = arith.extui %eq3A_83 : i1 to i32
    %cond3A_85 = arith.constant 0 : i32
    %cond3A_86 = arith.cmpi ne, %convert_element_type3A_84, %cond3A_85 : i32
    scf.if %cond3A_86 {
      "tpu.region"() ({
        %run_scoped3A = tpu.sem_alloc : memref<!tpu.dma_semaphore, #tpu.memory_space<semaphore_mem>>
        %dma_start3A_87 = arith.constant 0 : i32
        %dma_start3A_88 = arith.constant 0 : i32
        %dma_start3A_89 = tpu.memref_slice %arg5[%arg0, %dma_start3A_87, %dma_start3A_88] : memref<2x10000x128xf32, #tpu.memory_space<hbm>> -> memref<1x10000x128xf32, #tpu.memory_space<hbm>>
        %dma_start3A_90 = tpu.memref_squeeze %dma_start3A_89 : memref<1x10000x128xf32, #tpu.memory_space<hbm>> -> memref<10000x128xf32, #tpu.memory_space<hbm>>
        %dma_start3A_91 = arith.constant 9480 : i32
        %dma_start3A_92 = arith.constant 0 : i32
        %dma_start3A_93 = tpu.memref_slice %dma_start3A_90[%dma_start3A_91, %dma_start3A_92] : memref<10000x128xf32, #tpu.memory_space<hbm>> -> memref<520x128xf32, #tpu.memory_space<hbm>>
        %dma_start3A_94 = arith.constant 9480 : i32
        %dma_start3A_95 = arith.constant 0 : i32
        %dma_start3A_96 = tpu.memref_slice %arg13[%dma_start3A_94, %dma_start3A_95] : memref<10000x128xf32, #tpu.memory_space<vmem_shared>> -> memref<520x128xf32, #tpu.memory_space<vmem_shared>>
        tpu.enqueue_dma source(%dma_start3A_96 : memref<520x128xf32, #tpu.memory_space<vmem_shared>>) target(%dma_start3A_93 : memref<520x128xf32, #tpu.memory_space<hbm>>) target_semaphore(%run_scoped3A : memref<!tpu.dma_semaphore, #tpu.memory_space<semaphore_mem>>)
        %dma_wait3A = arith.constant 0 : i32
        %dma_wait3A_97 = arith.constant 0 : i32
        %dma_wait3A_98 = tpu.memref_slice %arg5[%arg0, %dma_wait3A, %dma_wait3A_97] : memref<2x10000x128xf32, #tpu.memory_space<hbm>> -> memref<1x10000x128xf32, #tpu.memory_space<hbm>>
        %dma_wait3A_99 = tpu.memref_squeeze %dma_wait3A_98 : memref<1x10000x128xf32, #tpu.memory_space<hbm>> -> memref<10000x128xf32, #tpu.memory_space<hbm>>
        %dma_wait3A_100 = arith.constant 9480 : i32
        %dma_wait3A_101 = arith.constant 0 : i32
        %dma_wait3A_102 = tpu.memref_slice %dma_wait3A_99[%dma_wait3A_100, %dma_wait3A_101] : memref<10000x128xf32, #tpu.memory_space<hbm>> -> memref<520x128xf32, #tpu.memory_space<hbm>>
        %dma_wait3A_103 = arith.constant 9480 : i32
        %dma_wait3A_104 = arith.constant 0 : i32
        %dma_wait3A_105 = tpu.memref_slice %arg13[%dma_wait3A_103, %dma_wait3A_104] : memref<10000x128xf32, #tpu.memory_space<vmem_shared>> -> memref<520x128xf32, #tpu.memory_space<vmem_shared>>
        tpu.wait_dma2 semaphore(%run_scoped3A : memref<!tpu.dma_semaphore, #tpu.memory_space<semaphore_mem>>) src(%dma_wait3A_105 : memref<520x128xf32, #tpu.memory_space<vmem_shared>>) dst(%dma_wait3A_102 : memref<520x128xf32, #tpu.memory_space<hbm>>)
        tpu.yield
      }) : () -> ()
    } else {
    }
    return
  }
}

module attributes {stable_mosaic.version = 14 : i64} {
  func.func @_mm_body(%arg0: i32, %arg1: memref<10000x128xf32, #tpu.memory_space<vmem>>, %arg2: memref<1x128x128xf32, #tpu.memory_space<vmem>>, %arg3: memref<1x10000x128xf32, #tpu.memory_space<vmem>>) attributes {dimension_semantics = [#tpu.dimension_semantics<arbitrary>], iteration_bounds = array<i64: 27>, scalar_prefetch = 0 : i64, scratch_operands = 0 : i64, tpu.core_type = #tpu.core_type<tc>, window_params = [{pipeline_mode = #tpu.pipeline_mode<synchronous>, transform_indices = @transform_0, window_bounds = array<i64: 10000, 128>}, {transform_indices = @transform_1, window_bounds = array<i64: 1, 128, 128>}, {transform_indices = @transform_2, window_bounds = array<i64: 1, 10000, 128>}]} {
    %get3A = arith.constant 0 : index
    %get3A_0 = arith.constant 0 : index
    %get3A_1 = vector.load %arg1[%get3A, %get3A_0] : memref<10000x128xf32, #tpu.memory_space<vmem>>, vector<10000x128xf32>
    %get3A_2 = arith.constant 0 : index
    %get3A_3 = arith.constant 0 : index
    %get3A_4 = arith.constant 0 : index
    %get3A_5 = vector.load %arg2[%get3A_2, %get3A_3, %get3A_4] : memref<1x128x128xf32, #tpu.memory_space<vmem>>, vector<1x128x128xf32>
    %get3A_6 = vector.shape_cast %get3A_5 : vector<1x128x128xf32> to vector<128x128xf32>
    %dot_general3A = arith.constant dense<0.000000e+00> : vector<10000x128xf32>
    %dot_general3A_7 = tpu.matmul %get3A_1, %get3A_6, %dot_general3A {dimension_numbers = #tpu.dot_dimension_numbers<[1], [0], [0], [1], [0, 0, 1, 1], [], []>, transpose_lhs_hint = false} : vector<10000x128xf32>, vector<128x128xf32>, vector<10000x128xf32> -> vector<10000x128xf32>
    %swap3A = arith.constant 0 : index
    %swap3A_8 = arith.constant 0 : index
    %swap3A_9 = arith.constant 0 : index
    %swap3A_10 = vector.load %arg3[%swap3A, %swap3A_8, %swap3A_9] : memref<1x10000x128xf32, #tpu.memory_space<vmem>>, vector<1x10000x128xf32>
    %swap3A_11 = vector.shape_cast %swap3A_10 : vector<1x10000x128xf32> to vector<10000x128xf32>
    %swap3A_12 = vector.shape_cast %dot_general3A_7 : vector<10000x128xf32> to vector<1x10000x128xf32>
    tpu.vector_store %arg3[%swap3A, %swap3A_8, %swap3A_9], %swap3A_12 {strides = array<i32>} : memref<1x10000x128xf32, #tpu.memory_space<vmem>>, vector<1x10000x128xf32>,
    return
  }
  func.func @transform_0(%arg0: i32) -> (i32, i32) {
    %c0_i32 = arith.constant 0 : i32
    %c0_i32_0 = arith.constant 0 : i32
    %c0_i32_1 = arith.constant 0 : i32
    return %c0_i32, %c0_i32_0 : i32, i32
  }
  func.func @transform_1(%arg0: i32) -> (i32, i32, i32) {
    %c0_i32 = arith.constant 0 : i32
    %c0_i32_0 = arith.constant 0 : i32
    %c0_i32_1 = arith.constant 0 : i32
    return %arg0, %c0_i32, %c0_i32_0 : i32, i32, i32
  }
  func.func @transform_2(%arg0: i32) -> (i32, i32, i32) {
    %c0_i32 = arith.constant 0 : i32
    %c0_i32_0 = arith.constant 0 : i32
    %c0_i32_1 = arith.constant 0 : i32
    return %arg0, %c0_i32, %c0_i32_0 : i32, i32, i32
  }
}

module attributes {stable_mosaic.version = 14 : i64} {
  func.func @_mid_body(%arg0: i32, %arg1: memref<2x10000x128xf32, #tpu.memory_space<vmem>>, %arg2: memref<1x128xf32, #tpu.memory_space<vmem>>, %arg3: memref<1x128xf32, #tpu.memory_space<vmem>>, %arg4: memref<1x128x128xf32, #tpu.memory_space<vmem>>, %arg5: memref<1x10000x128xf32, #tpu.memory_space<vmem>>, %arg6: memref<10000x128xf32, #tpu.memory_space<vmem>>) attributes {dimension_semantics = [#tpu.dimension_semantics<arbitrary>], iteration_bounds = array<i64: 27>, scalar_prefetch = 0 : i64, scratch_operands = 1 : i64, tpu.core_type = #tpu.core_type<tc>, window_params = [{pipeline_mode = #tpu.pipeline_mode<synchronous>, transform_indices = @transform_0, window_bounds = array<i64: 2, 10000, 128>}, {pipeline_mode = #tpu.pipeline_mode<synchronous>, transform_indices = @transform_1, window_bounds = array<i64: 1, 128>}, {pipeline_mode = #tpu.pipeline_mode<synchronous>, transform_indices = @transform_2, window_bounds = array<i64: 1, 128>}, {transform_indices = @transform_3, window_bounds = array<i64: 1, 128, 128>}, {transform_indices = @transform_4, window_bounds = array<i64: 1, 10000, 128>}]} {
    %eq3A = arith.constant 0 : i32
    %eq3A_0 = arith.cmpi eq, %arg0, %eq3A : i32
    %convert_element_type3A = arith.extui %eq3A_0 : i1 to i32
    %cond3A = arith.constant 0 : i32
    %cond3A_1 = arith.cmpi ne, %convert_element_type3A, %cond3A : i32
    scf.if %cond3A_1 {
      %get3A_15 = arith.constant 0 : index
      %get3A_16 = arith.constant 0 : index
      %get3A_17 = arith.constant 0 : index
      %get3A_18 = vector.load %arg1[%get3A_15, %get3A_16, %get3A_17] : memref<2x10000x128xf32, #tpu.memory_space<vmem>>, vector<1x10000x128xf32>
      %get3A_19 = vector.shape_cast %get3A_18 : vector<1x10000x128xf32> to vector<10000x128xf32>
      %get3A_20 = arith.constant 1 : index
      %get3A_21 = arith.constant 0 : index
      %get3A_22 = arith.constant 0 : index
      %get3A_23 = vector.load %arg1[%get3A_20, %get3A_21, %get3A_22] : memref<2x10000x128xf32, #tpu.memory_space<vmem>>, vector<1x10000x128xf32>
      %get3A_24 = vector.shape_cast %get3A_23 : vector<1x10000x128xf32> to vector<10000x128xf32>
      %add3A = arith.addf %get3A_19, %get3A_24 : vector<10000x128xf32>
      %reduce_sum3A = arith.constant dense<0.000000e+00> : vector<128xf32>
      %reduce_sum3A_25 = vector.multi_reduction <add>, %add3A, %reduce_sum3A [0] : vector<10000x128xf32> to vector<128xf32>
      %broadcast_in_dim3A = vector.shape_cast %reduce_sum3A_25 : vector<128xf32> to vector<1x128xf32>
      %div3A = arith.constant 1.000000e+04 : f32
      %div3A_26 = vector.broadcast %div3A : f32 to vector<1x128xf32>
      %div3A_27 = arith.divf %broadcast_in_dim3A, %div3A_26 : vector<1x128xf32>
      %sub3A = vector.broadcast %div3A_27 : vector<1x128xf32> to vector<10000x128xf32>
      %sub3A_28 = arith.subf %add3A, %sub3A : vector<10000x128xf32>
      %sub3A_29 = vector.broadcast %div3A_27 : vector<1x128xf32> to vector<10000x128xf32>
      %sub3A_30 = arith.subf %add3A, %sub3A_29 : vector<10000x128xf32>
      %mul3A = arith.mulf %sub3A_28, %sub3A_30 : vector<10000x128xf32>
      %reduce_sum3A_31 = arith.constant dense<0.000000e+00> : vector<128xf32>
      %reduce_sum3A_32 = vector.multi_reduction <add>, %mul3A, %reduce_sum3A_31 [0] : vector<10000x128xf32> to vector<128xf32>
      %broadcast_in_dim3A_33 = vector.shape_cast %reduce_sum3A_32 : vector<128xf32> to vector<1x128xf32>
      %div3A_34 = arith.constant 1.000000e+04 : f32
      %div3A_35 = vector.broadcast %div3A_34 : f32 to vector<1x128xf32>
      %div3A_36 = arith.divf %broadcast_in_dim3A_33, %div3A_35 : vector<1x128xf32>
      %get3A_37 = arith.constant 0 : index
      %get3A_38 = arith.constant 0 : index
      %get3A_39 = vector.load %arg2[%get3A_37, %get3A_38] : memref<1x128xf32, #tpu.memory_space<vmem>>, vector<1x128xf32>
      %sub3A_40 = vector.broadcast %div3A_27 : vector<1x128xf32> to vector<10000x128xf32>
      %sub3A_41 = arith.subf %add3A, %sub3A_40 : vector<10000x128xf32>
      %mul3A_42 = vector.broadcast %get3A_39 : vector<1x128xf32> to vector<10000x128xf32>
      %mul3A_43 = arith.mulf %mul3A_42, %sub3A_41 : vector<10000x128xf32>
      %add3A_44 = arith.constant 9.99999974E-6 : f32
      %add3A_45 = vector.broadcast %add3A_44 : f32 to vector<1x128xf32>
      %add3A_46 = arith.addf %div3A_36, %add3A_45 : vector<1x128xf32>
      %rsqrt3A = math.rsqrt %add3A_46 : vector<1x128xf32>
      %mul3A_47 = vector.broadcast %rsqrt3A : vector<1x128xf32> to vector<10000x128xf32>
      %mul3A_48 = arith.mulf %mul3A_43, %mul3A_47 : vector<10000x128xf32>
      %get3A_49 = arith.constant 0 : index
      %get3A_50 = arith.constant 0 : index
      %get3A_51 = vector.load %arg3[%get3A_49, %get3A_50] : memref<1x128xf32, #tpu.memory_space<vmem>>, vector<1x128xf32>
      %add3A_52 = vector.broadcast %get3A_51 : vector<1x128xf32> to vector<10000x128xf32>
      %add3A_53 = arith.addf %mul3A_48, %add3A_52 : vector<10000x128xf32>
      %max3A = arith.constant 0.000000e+00 : f32
      %max3A_54 = vector.broadcast %max3A : f32 to vector<10000x128xf32>
      %max3A_55 = arith.maximumf %add3A_53, %max3A_54 : vector<10000x128xf32>
      %swap3A_56 = arith.constant 0 : index
      %swap3A_57 = arith.constant 0 : index
      %swap3A_58 = vector.load %arg6[%swap3A_56, %swap3A_57] : memref<10000x128xf32, #tpu.memory_space<vmem>>, vector<10000x128xf32>
      tpu.vector_store %arg6[%swap3A_56, %swap3A_57], %max3A_55 {strides = array<i32>} : memref<10000x128xf32, #tpu.memory_space<vmem>>, vector<10000x128xf32>,
    } else {
    }
    %get3A = arith.constant 0 : index
    %get3A_2 = arith.constant 0 : index
    %get3A_3 = vector.load %arg6[%get3A, %get3A_2] : memref<10000x128xf32, #tpu.memory_space<vmem>>, vector<10000x128xf32>
    %get3A_4 = arith.constant 0 : index
    %get3A_5 = arith.constant 0 : index
    %get3A_6 = arith.constant 0 : index
    %get3A_7 = vector.load %arg4[%get3A_4, %get3A_5, %get3A_6] : memref<1x128x128xf32, #tpu.memory_space<vmem>>, vector<1x128x128xf32>
    %get3A_8 = vector.shape_cast %get3A_7 : vector<1x128x128xf32> to vector<128x128xf32>
    %dot_general3A = arith.constant dense<0.000000e+00> : vector<10000x128xf32>
    %dot_general3A_9 = tpu.matmul %get3A_3, %get3A_8, %dot_general3A {dimension_numbers = #tpu.dot_dimension_numbers<[1], [0], [0], [1], [0, 0, 1, 1], [], []>, transpose_lhs_hint = false} : vector<10000x128xf32>, vector<128x128xf32>, vector<10000x128xf32> -> vector<10000x128xf32>
    %swap3A = arith.constant 0 : index
    %swap3A_10 = arith.constant 0 : index
    %swap3A_11 = arith.constant 0 : index
    %swap3A_12 = vector.load %arg5[%swap3A, %swap3A_10, %swap3A_11] : memref<1x10000x128xf32, #tpu.memory_space<vmem>>, vector<1x10000x128xf32>
    %swap3A_13 = vector.shape_cast %swap3A_12 : vector<1x10000x128xf32> to vector<10000x128xf32>
    %swap3A_14 = vector.shape_cast %dot_general3A_9 : vector<10000x128xf32> to vector<1x10000x128xf32>
    tpu.vector_store %arg5[%swap3A, %swap3A_10, %swap3A_11], %swap3A_14 {strides = array<i32>} : memref<1x10000x128xf32, #tpu.memory_space<vmem>>, vector<1x10000x128xf32>,
    return
  }
  func.func @transform_0(%arg0: i32) -> (i32, i32, i32) {
    %c0_i32 = arith.constant 0 : i32
    %c0_i32_0 = arith.constant 0 : i32
    %c0_i32_1 = arith.constant 0 : i32
    %c0_i32_2 = arith.constant 0 : i32
    return %c0_i32, %c0_i32_0, %c0_i32_1 : i32, i32, i32
  }
  func.func @transform_1(%arg0: i32) -> (i32, i32) {
    %c0_i32 = arith.constant 0 : i32
    %c0_i32_0 = arith.constant 0 : i32
    %c0_i32_1 = arith.constant 0 : i32
    return %c0_i32, %c0_i32_0 : i32, i32
  }
  func.func @transform_2(%arg0: i32) -> (i32, i32) {
    %c0_i32 = arith.constant 0 : i32
    %c0_i32_0 = arith.constant 0 : i32
    %c0_i32_1 = arith.constant 0 : i32
    return %c0_i32, %c0_i32_0 : i32, i32
  }
  func.func @transform_3(%arg0: i32) -> (i32, i32, i32) {
    %c0_i32 = arith.constant 0 : i32
    %c0_i32_0 = arith.constant 0 : i32
    %c0_i32_1 = arith.constant 0 : i32
    return %arg0, %c0_i32, %c0_i32_0 : i32, i32, i32
  }
  func.func @transform_4(%arg0: i32) -> (i32, i32, i32) {
    %c0_i32 = arith.constant 0 : i32
    %c0_i32_0 = arith.constant 0 : i32
    %c0_i32_1 = arith.constant 0 : i32
    return %arg0, %c0_i32, %c0_i32_0 : i32, i32, i32
  }
}

module attributes {stable_mosaic.version = 14 : i64} {
  func.func @_final_body(%arg0: i32, %arg1: memref<2x10000x128xf32, #tpu.memory_space<vmem>>, %arg2: memref<1x128xf32, #tpu.memory_space<vmem>>, %arg3: memref<1x128xf32, #tpu.memory_space<vmem>>, %arg4: memref<10000x128xf32, #tpu.memory_space<vmem>>, %arg5: memref<10000x128xf32, #tpu.memory_space<vmem>>) attributes {dimension_semantics = [#tpu.dimension_semantics<arbitrary>], iteration_bounds = array<i64: 1>, scalar_prefetch = 0 : i64, scratch_operands = 0 : i64, tpu.core_type = #tpu.core_type<tc>, window_params = [{pipeline_mode = #tpu.pipeline_mode<synchronous>, transform_indices = @transform_0, window_bounds = array<i64: 2, 10000, 128>}, {pipeline_mode = #tpu.pipeline_mode<synchronous>, transform_indices = @transform_1, window_bounds = array<i64: 1, 128>}, {pipeline_mode = #tpu.pipeline_mode<synchronous>, transform_indices = @transform_2, window_bounds = array<i64: 1, 128>}, {pipeline_mode = #tpu.pipeline_mode<synchronous>, transform_indices = @transform_3, window_bounds = array<i64: 10000, 128>}, {pipeline_mode = #tpu.pipeline_mode<synchronous>, transform_indices = @transform_4, window_bounds = array<i64: 10000, 128>}]} {
    %get3A = arith.constant 0 : index
    %get3A_0 = arith.constant 0 : index
    %get3A_1 = arith.constant 0 : index
    %get3A_2 = vector.load %arg1[%get3A, %get3A_0, %get3A_1] : memref<2x10000x128xf32, #tpu.memory_space<vmem>>, vector<1x10000x128xf32>
    %get3A_3 = vector.shape_cast %get3A_2 : vector<1x10000x128xf32> to vector<10000x128xf32>
    %get3A_4 = arith.constant 1 : index
    %get3A_5 = arith.constant 0 : index
    %get3A_6 = arith.constant 0 : index
    %get3A_7 = vector.load %arg1[%get3A_4, %get3A_5, %get3A_6] : memref<2x10000x128xf32, #tpu.memory_space<vmem>>, vector<1x10000x128xf32>
    %get3A_8 = vector.shape_cast %get3A_7 : vector<1x10000x128xf32> to vector<10000x128xf32>
    %add3A = arith.addf %get3A_3, %get3A_8 : vector<10000x128xf32>
    %reduce_sum3A = arith.constant dense<0.000000e+00> : vector<128xf32>
    %reduce_sum3A_9 = vector.multi_reduction <add>, %add3A, %reduce_sum3A [0] : vector<10000x128xf32> to vector<128xf32>
    %broadcast_in_dim3A = vector.shape_cast %reduce_sum3A_9 : vector<128xf32> to vector<1x128xf32>
    %div3A = arith.constant 1.000000e+04 : f32
    %div3A_10 = vector.broadcast %div3A : f32 to vector<1x128xf32>
    %div3A_11 = arith.divf %broadcast_in_dim3A, %div3A_10 : vector<1x128xf32>
    %sub3A = vector.broadcast %div3A_11 : vector<1x128xf32> to vector<10000x128xf32>
    %sub3A_12 = arith.subf %add3A, %sub3A : vector<10000x128xf32>
    %sub3A_13 = vector.broadcast %div3A_11 : vector<1x128xf32> to vector<10000x128xf32>
    %sub3A_14 = arith.subf %add3A, %sub3A_13 : vector<10000x128xf32>
    %mul3A = arith.mulf %sub3A_12, %sub3A_14 : vector<10000x128xf32>
    %reduce_sum3A_15 = arith.constant dense<0.000000e+00> : vector<128xf32>
    %reduce_sum3A_16 = vector.multi_reduction <add>, %mul3A, %reduce_sum3A_15 [0] : vector<10000x128xf32> to vector<128xf32>
    %broadcast_in_dim3A_17 = vector.shape_cast %reduce_sum3A_16 : vector<128xf32> to vector<1x128xf32>
    %div3A_18 = arith.constant 1.000000e+04 : f32
    %div3A_19 = vector.broadcast %div3A_18 : f32 to vector<1x128xf32>
    %div3A_20 = arith.divf %broadcast_in_dim3A_17, %div3A_19 : vector<1x128xf32>
    %get3A_21 = arith.constant 0 : index
    %get3A_22 = arith.constant 0 : index
    %get3A_23 = vector.load %arg2[%get3A_21, %get3A_22] : memref<1x128xf32, #tpu.memory_space<vmem>>, vector<1x128xf32>
    %sub3A_24 = vector.broadcast %div3A_11 : vector<1x128xf32> to vector<10000x128xf32>
    %sub3A_25 = arith.subf %add3A, %sub3A_24 : vector<10000x128xf32>
    %mul3A_26 = vector.broadcast %get3A_23 : vector<1x128xf32> to vector<10000x128xf32>
    %mul3A_27 = arith.mulf %mul3A_26, %sub3A_25 : vector<10000x128xf32>
    %add3A_28 = arith.constant 9.99999974E-6 : f32
    %add3A_29 = vector.broadcast %add3A_28 : f32 to vector<1x128xf32>
    %add3A_30 = arith.addf %div3A_20, %add3A_29 : vector<1x128xf32>
    %rsqrt3A = math.rsqrt %add3A_30 : vector<1x128xf32>
    %mul3A_31 = vector.broadcast %rsqrt3A : vector<1x128xf32> to vector<10000x128xf32>
    %mul3A_32 = arith.mulf %mul3A_27, %mul3A_31 : vector<10000x128xf32>
    %get3A_33 = arith.constant 0 : index
    %get3A_34 = arith.constant 0 : index
    %get3A_35 = vector.load %arg3[%get3A_33, %get3A_34] : memref<1x128xf32, #tpu.memory_space<vmem>>, vector<1x128xf32>
    %add3A_36 = vector.broadcast %get3A_35 : vector<1x128xf32> to vector<10000x128xf32>
    %add3A_37 = arith.addf %mul3A_32, %add3A_36 : vector<10000x128xf32>
    %get3A_38 = arith.constant 0 : index
    %get3A_39 = arith.constant 0 : index
    %get3A_40 = vector.load %arg4[%get3A_38, %get3A_39] : memref<10000x128xf32, #tpu.memory_space<vmem>>, vector<10000x128xf32>
    %add3A_41 = arith.addf %add3A_37, %get3A_40 : vector<10000x128xf32>
    %max3A = arith.constant 0.000000e+00 : f32
    %max3A_42 = vector.broadcast %max3A : f32 to vector<10000x128xf32>
    %max3A_43 = arith.maximumf %add3A_41, %max3A_42 : vector<10000x128xf32>
    %swap3A = arith.constant 0 : index
    %swap3A_44 = arith.constant 0 : index
    %swap3A_45 = vector.load %arg5[%swap3A, %swap3A_44] : memref<10000x128xf32, #tpu.memory_space<vmem>>, vector<10000x128xf32>
    tpu.vector_store %arg5[%swap3A, %swap3A_44], %max3A_43 {strides = array<i32>} : memref<10000x128xf32, #tpu.memory_space<vmem>>, vector<10000x128xf32>,
    return
  }
  func.func @transform_0(%arg0: i32) -> (i32, i32, i32) {
    %c0_i32 = arith.constant 0 : i32
    %c0_i32_0 = arith.constant 0 : i32
    %c0_i32_1 = arith.constant 0 : i32
    %c0_i32_2 = arith.constant 0 : i32
    return %c0_i32, %c0_i32_0, %c0_i32_1 : i32, i32, i32
  }
  func.func @transform_1(%arg0: i32) -> (i32, i32) {
    %c0_i32 = arith.constant 0 : i32
    %c0_i32_0 = arith.constant 0 : i32
    %c0_i32_1 = arith.constant 0 : i32
    return %c0_i32, %c0_i32_0 : i32, i32
  }
  func.func @transform_2(%arg0: i32) -> (i32, i32) {
    %c0_i32 = arith.constant 0 : i32
    %c0_i32_0 = arith.constant 0 : i32
    %c0_i32_1 = arith.constant 0 : i32
    return %c0_i32, %c0_i32_0 : i32, i32
  }
  func.func @transform_3(%arg0: i32) -> (i32, i32) {
    %c0_i32 = arith.constant 0 : i32
    %c0_i32_0 = arith.constant 0 : i32
    %c0_i32_1 = arith.constant 0 : i32
    return %c0_i32, %c0_i32_0 : i32, i32
  }
  func.func @transform_4(%arg0: i32) -> (i32, i32) {
    %c0_i32 = arith.constant 0 : i32
    %c0_i32_0 = arith.constant 0 : i32
    %c0_i32_1 = arith.constant 0 : i32
    return %c0_i32, %c0_i32_0 : i32, i32
  }
}

</mosaic_0001>

<sc_bundles>
// kernel: kernel.10.cloned.1.call-start
scs
__scs_entry_jumppad:
0x0: {  	(pc) =	sbr.rel $0x88, $3  }
0x1: {  	(tag) =	ssettag $0x0;
	lr =	simm.s32 $0x1  }
0x2: {  	[smem:$0x3F98] =	sst lr;
	_ =	strace $0xD0000000  }
0x3: {  	_ = 	snop  }
0x4: {  	_ = 	snop  }
0x5: {  	_ = 	snop  }
0x6: {  	_ = 	snop  }
0x7: {  	_ = 	snop  }
__scs_overlays_trampoline_lowered:
0x8: {  	[smem:$0x3FA7] =	sst s0  }
0x9: {  	[smem:$0x3FA8] =	sst s1  }
0xa: {  	[smem:$0x3FA9] =	sst s2  }
0xb: {  	[smem:$0x3FAA] =	sst s3  }
0xc: {  	[smem:$0x3FAB] =	sst s4  }
0xd: {  	[smem:$0x3FAC] =	sst s5  }
0xe: {  	[smem:$0x3FAD] =	sst s6  }
0xf: {  	[smem:$0x3FAE] =	sst s7  }
0x10: {  	[smem:$0x3FAF] =	sst s8  }
0x11: {  	[smem:$0x3FB0] =	sst s9;
	s0 =	simm.s32 @!p0 $0x0  }
0x12: {  	s1 =	sld [smem:$0x3F96];
	s0 =	simm.s32 @p0 $0x1  }
0x13: {  	[smem:$0x3FB1] =	sst s0;
	s0 =	simm.s32 @!p1 $0x0  }
0x14: {  	s2 =	sld [smem:$0x3F95];
	s0 =	simm.s32 @p1 $0x1  }
0x15: {  	[smem:$0x3FB2] =	sst s0;
	s0 =	simm.s32 @!p2 $0x0  }
0x16: {  	s3 =	sld [smem:$0x3FDB];
	s0 =	simm.s32 @p2 $0x1  }
0x17: {  	s4 =	simm.s32 $0x1BF5;
	[smem:$0x3FB4] =	sst s0  }
0x18: {  	s0 =	sld [smem:$0x3F97];
	_ =	swait.ge [sflag:s4], $0x0  }
0x19: {  	s7 =	sld [smem:$0x3F98]  }
0x1a: {  	s8 =	sadd.s32 $0xFFFFE003, lr  }
0x1b: {  	s9 =	sadd.s32 $0xFFFFFEF7, lr;
	s5 =	simm.s32 $0xFFFFFFFF;
	p2 =	slt.u32 s8, $0xFFFFF086  }
0x1c: {  	p1 =	slt.u32 s9, $0xF7A;
	s5 =	simm.s32 @!p2 $0x0  }
0x1d: {  	s5 =	simm.s32 @p1 $0x1;
	p0 =	seq.s32 s7, s2  }
0x1e: {  	s7 =	smul.u32 @!p0 $0xF7A, s2;
	p2 =	seq.s32 @!p0 s5, $0x0  }
0x1f: {  	s9 =	smul.u32 $0xF7A, s1;
	s8 =	simm.s32 @!p0 $0x1BF5;
	p2 =	por !p2, p0  }
0x20: {  	[sflag:s8] =	ssyncset.s32 @!p0 $0xFFFFF086;
	s6 =	sadd.s32 @!p0 s3, s7;
	s7 =	simm.s32 @!p0 $0x108  }
0x21: {  	s3 =	sadd.s32 s3, s9;
	s6 =	sadd.s32 @!p0 $0x88, s6;
	s7 =	simm.s32 @p2 $0x1082  }
0x22: {  	[simem:s7], [sflag:s8] =	dma.local @!p0 [hbm:s6], $0xF7A  }
0x23: {  	s9 =	sor.u32 $0xD0000000, s2;
	s6 =	simm.s32 $0x108;
	_ =	swait.ge @!p0 [sflag:s8], $0x0  }
0x24: {  	s3 =	sadd.s32 $0x88, s3;
	s6 =	simm.s32 @!p1 $0x1082;
	[sflag:s4] =	ssyncset.s32 $0xFFFFF086  }
0x25: {  	[simem:s6], [sflag:s4] =	dma.local [hbm:s3], $0xF7A  }
0x26: {  	[smem:$0x3F98] =	sst s1;
	(tag) =	ssettag s2;
	_ =	strace s9  }
0x27: {  	s1 =	sld [smem:$0x3FA8]  }
0x28: {  	s2 =	sld [smem:$0x3FA9]  }
0x29: {  	s4 =	sld [smem:$0x3FAB]  }
0x2a: {  	p0 =	seq.s32 s5, $0x0;
	s5 =	sld [smem:$0x3FAC]  }
0x2b: {  	s6 =	sld [smem:$0x3FAD]  }
0x2c: {  	s7 =	sld [smem:$0x3FAE]  }
0x2d: {  	s3 =	simm.s32 $0x108;
	s8 =	sld [smem:$0x3FAF]  }
0x2e: {  	s3 =	simm.s32 @!p0 $0x1082;
	s9 =	sld [smem:$0x3FB0]  }
0x2f: {  	lr =	sadd.s32 s0, s3;
	s0 =	sld [smem:$0x3FA7]  }
0x30: {  	s3 =	sld [smem:$0x3FAA]  }
0x31: {  	[smem:$0x3FB3] =	sst s10  }
0x32: {  	s10 =	sld [smem:$0x3FB1];
	_ =	sdelay $0x3  }
0x33: {  	p0 =	seq.s32 s10, $0x1;
	s10 =	sld [smem:$0x3FB3];
	_ =	sdelay $0x3  }
0x34: {  	[smem:$0x3FB3] =	sst s10  }
0x35: {  	s10 =	sld [smem:$0x3FB2];
	_ =	sdelay $0x3  }
0x36: {  	p1 =	seq.s32 s10, $0x1;
	s10 =	sld [smem:$0x3FB3];
	_ =	sdelay $0x3  }
0x37: {  	[smem:$0x3FB3] =	sst s10  }
0x38: {  	s10 =	sld [smem:$0x3FB4]  }
0x39: {  	_ = 	snop;
	(pc) =	sbr.ind lr, $3  }
0x3a: {  	_ = 	snop  }
0x3b: {  	_ = 	snop  }
0x3c: {  	p2 =	seq.s32 s10, $0x1;
	s10 =	sld [smem:$0x3FB3]  }
0x3d: {  	_ =	shalt  }
0x3e: {  	_ =	shalt  }
0x3f: {  	_ =	shalt  }
0x40: {  	_ =	shalt  }
0x41: {  	_ =	shalt  }
0x42: {  	_ =	shalt  }
0x43: {  	_ =	shalt  }
0x44: {  	_ =	shalt  }
0x45: {  	_ =	shalt  }
0x46: {  	_ =	shalt  }
0x47: {  	_ =	shalt  }
0x48: {  	_ =	shalt  }
0x49: {  	_ =	shalt  }
0x4a: {  	_ =	shalt  }
0x4b: {  	_ =	shalt  }
0x4c: {  	_ =	shalt  }
0x4d: {  	_ =	shalt  }
0x4e: {  	_ =	shalt  }
0x4f: {  	_ =	shalt  }
0x50: {  	_ =	shalt  }
0x51: {  	_ =	shalt  }
0x52: {  	_ =	shalt  }
0x53: {  	_ =	shalt  }
0x54: {  	_ =	shalt  }
0x55: {  	_ =	shalt  }
0x56: {  	_ =	shalt  }
0x57: {  	_ =	shalt  }
0x58: {  	_ =	shalt  }
0x59: {  	_ =	shalt  }
0x5a: {  	_ =	shalt  }
0x5b: {  	_ =	shalt  }
0x5c: {  	_ =	shalt  }
0x5d: {  	_ =	shalt  }
0x5e: {  	_ =	shalt  }
0x5f: {  	_ =	shalt  }
0x60: {  	_ =	shalt  }
0x61: {  	_ =	shalt  }
0x62: {  	_ =	shalt  }
0x63: {  	_ =	shalt  }
0x64: {  	_ =	shalt  }
0x65: {  	_ =	shalt  }
0x66: {  	_ =	shalt  }
0x67: {  	_ =	shalt  }
0x68: {  	_ =	shalt  }
0x69: {  	_ =	shalt  }
0x6a: {  	_ =	shalt  }
0x6b: {  	_ =	shalt  }
0x6c: {  	_ =	shalt  }
0x6d: {  	_ =	shalt  }
0x6e: {  	_ =	shalt  }
0x6f: {  	_ =	shalt  }
0x70: {  	_ =	shalt  }
0x71: {  	_ =	shalt  }
0x72: {  	_ =	shalt  }
0x73: {  	_ =	shalt  }
0x74: {  	_ =	shalt  }
0x75: {  	_ =	shalt  }
0x76: {  	_ =	shalt  }
0x77: {  	_ =	shalt  }
0x78: {  	_ =	shalt  }
0x79: {  	_ =	shalt  }
0x7a: {  	_ =	shalt  }
0x7b: {  	_ =	shalt  }
0x7c: {  	_ =	shalt  }
0x7d: {  	_ =	shalt  }
0x7e: {  	_ =	shalt  }
0x7f: {  	_ =	shalt  }
0x80: {  	_ =	shalt  }
0x81: {  	_ =	shalt  }
0x82: {  	_ =	shalt  }
0x83: {  	_ =	shalt  }
0x84: {  	_ =	shalt  }
0x85: {  	_ =	shalt  }
0x86: {  	_ =	shalt  }
0x87: {  	_ =	shalt  }
.Lfunc_end0:
.L_simem_size_0:
called_computation.1_lowered:
.L_overlay_start_0:
0x88: {  	s2 =	sld [smem:$0x3FD9]  }
0x89: {  	s3 =	sld [smem:$0x3FFE];
	_ =	sdelay $0x1  }
0x8a: {  	s1 =	srdreg.scid  }
0x8b: {  	s0 =	sand.u32 $0x1, s1  }
0x8c: {  	s17 =	sshll.u32 s0, $0xA;
	s2 =	sadd.s32 s3, s2  }
0x8d: {  	s2 =	sadd.s32 s2, s17  }
0x8e: {  	[smem:$0x3FBF] =	sst s2  }
0x8f: {  	_ = 	snop  }
0x90: {  	s2 =	sld [smem:$0x3FD0];
	(tm) =	ssettm $0x1  }
0x91: {  	s18 =	sld [smem:$0x3FFB];
	_ =	sdelay $0x3  }
0x92: {  	_ =	strace s18  }
0x93: {  	s3 =	sld [smem:$0x3FFC];
	_ =	sdelay $0x3  }
0x94: {  	_ =	strace s3  }
0x95: {  	s3 =	sld [smem:$0x3FFD];
	_ =	sdelay $0x3  }
0x96: {  	_ =	strace s3  }
0x97: {  	_ =	strace $0x8FFFFFFF  }
0x98: {  	s19 =	sld [smem:$0x3FDB];
	_ =	sdelay $0x1  }
0x99: {  	s4 =	simm.s32 $_scs_section_size  }
0x9a: {  	s5 =	simm.s32 $_size__tile_overlayer_lowered;
	s6 =	simm.s32 $_tile_overlayer_lowered  }
0x9b: {  	s22 =	simm.s32 $0x1BFF;
	s21 =	sshll.u32 s6, $0x1;
	s3 =	sadd.s32 s4, s19  }
0x9c: {  	s7 =	simm.s32 $0x0;
	s20 =	sshll.u32 s5, $0x1;
	s5 =	sadd.s32 s21, s3  }
0x9d: {  	[timem:s7], [sflag:s22] =	dma.local [hbm:s5], s20  }
0x9e: {  	_ =	swait.ge [sflag:s22], s20  }
0x9f: {  	s4 =	ssub.s32 $0x0, s20;
	[sflag:s22] =	ssyncset.done $0x0  }
0xa0: {  	[sflag:s22] =	ssyncadd.s32 s4;
	_ =	sdelay $0x1  }
0xa1: {  	s23 =	simm.s32 $0x1B8B  }
0xa2: {  	_ =	swait.ge [sflag:s23], $0x1  }
0xa3: {  	[sflag:s23] =	ssyncset.done $0x0  }
0xa4: {  	s25 =	simm.s32 $0x1B8E;
	s24 =	sld [smem:$0x3FFE];
	[sflag:s23] =	ssyncadd.s32 $0xFFFFFFFF  }
0xa5: {  	s26 =	simm.s32 $execute0_lowered;
	[smem:$0x3FD2] =	sst s25  }
0xa6: {  	s5 =	sshll.u32 s26, $0x1;
	_ =	strace $0x80000049;
	[dreg:$0x1] =	wrdreg $0xFFFFFFFF  }
0xa7: {  	s28 =	simm.s32 $_size_execute0_lowered;
	s3 =	sadd.s32 s3, s5;
	[dreg:$0x0] =	wrdreg $0x0  }
0xa8: {  	s5 =	sshll.u32 s28, $0x1;
	[dreg:$0x2] =	wrdreg s3  }
0xa9: {  	[dreg:$0x3] =	wrdreg s5  }
0xaa: {  	[dreg:$0x4] =	wrdreg $0xC0  }
0xab: {  	_ =	task [dreg:s7], $0x5FFFF  }
0xac: {  	[dreg:$0x1] =	wrdreg $0xFFFFFFFF  }
0xad: {  	[dreg:$0x0] =	wrdreg $0x60  }
0xae: {  	[dreg:$0x2] =	wrdreg s24  }
0xaf: {  	[dreg:$0x3] =	wrdreg s2  }
0xb0: {  	[dreg:$0x4] =	wrdreg $0xA2200  }
0xb1: {  	[dreg:$0x5] =	wrdreg $0x9  }
0xb2: {  	_ =	task.clear_ibuf [dreg:s7], $0x6FFFF;
	_ =	strace $0x90000049  }
0xb3: {  	s29 =	simm.s32 $0x9;
	_ =	strace $0x8000004B  }
0xb4: {  	_ =	swait.ge [sflag:s29], $0x1  }
0xb5: {  	[sflag:s29] =	ssyncadd.s32 $0xFFFFFFFF  }
0xb6: {  	_ =	strace $0x9000004B  }
0xb7: {  	_ =	sfence  }
0xb8: {  	s30 =	sld [smem:$0x0];
	_ =	sdelay $0x2  }
0xb9: {  	s31 =	sshll.u32 s1, $0xD;
	s1 =	sshrl.u32 s1, $0x2  }
0xba: {  	s3 =	sand.u32 $0x4000, s31;
	s1 =	sadd.s32 s1, s30  }
0xbb: {  	s0 =	sor.u32 s3, s0;
	s1 =	sshll.u32 s1, $0x11  }
0xbc: {  	s0 =	sor.u32 s1, s0  }
0xbd: {  	s0 =	sadd.s32 $0x8F2B, s0  }
0xbe: {  	[sflag:s0] =	ssyncadd.remote.s32 $0x1  }
0xbf: {  	_ =	sfence.sel $0xFFFF  }
0xc0: {  	[dreg:$0x0] =	wrdreg $0xFFFFFFFF;
	(pc) =	sbr.abs _section_cstart, $3  }
0xc1: {  	[dreg:$0x1] =	wrdreg $0xFFFFFFFF  }
0xc2: {  	_ =	task.clear_ibuf [dreg:s7], $0x2FFFF;
	_ =	strace $0x9FFFFFFF  }
0xc3: {  	(tm) =	ssettm $0x7FFFFFFF  }
tec
execute0_lowered:
.L_overlay_start_1:
0x0: {  	(tag) =	ssettag $0x1  }
0x1: {  	s5 =	rddreg [dreg:$0x0]  }
0x2: {  	s6 =	rddreg [dreg:$0x1]  }
0x3: {  	s2 =	rddreg [dreg:$0x2]  }
0x4: {  	s0 =	rddreg [dreg:$0x3]  }
0x5: {  	s4 =	srdreg.scid;
	s1 =	stileid.u32;
	s3 =	simm.s32 $0x0  }
0x6: {  	s14 =	simm.s32 $0x4E20;
	s15 =	simm.s32 $0x1;
	s16 =	simm.s32 $0x50  }
0x7: {  	s17 =	simm.s32 $0x4DD0;
	s18 =	simm.s32 $0x4;
	s21 =	simm.s32 $0x0  }
0x8: {  	s7 =	sand.u32 $0x1, s4;
	s30 =	sshll.u32 s1, $0x1;
	s12 =	smul.u32 $0x4F000, s1  }
0x9: {  	[smem:$0x7FF] =	sst s3;
	s13 =	smul.u32 $0x13C00, s1;
	p0 =	seq.s32 s1, $0xF  }
0xa: {  	s4 =	sor.u32 s7, s30;
	_ =	strace $0x8000004A;
	s9 =	smul.u32 $0x27100, s7  }
0xb: {  	s7 =	ssub.s32 $0x2, s7;
	s8 =	smul.u32 $0x4E2, s4;
	s4 =	sadd.s32 $0xB800, s5  }
0xc: {  	s11 =	sshrl.u32 s7, $0x1;
	s31 =	sshrl.u32 s12, $0x2;
	s19 =	sshrl.u32 s13, $0x3  }
0xd: {  	s20 =	sadd.s32 s13, s2;
	s12 =	simm.s32 $0x2710;
	s13 =	simm.s32 $0x9E20  }
0xe: {  	s9 =	sadd.s32 s9, s5;
	s11 =	ssub.s32 s7, s11;
	s7 =	sadd.s32 s31, s2  }
0xf: {  	s10 =	sadd.s32 s8, s5;
	s6 =	sadd.s32 s6, s8;
	s8 =	sadd.s32 $0x42A400, s9  }
0x10: {  	s20 =	sshrl.u32 @!p0 s20, $0x3;
	s9 =	sadd.s32 $0x128400, s2;
	s5 =	sadd.s32 $0x1A00, s10  }
0x11: {  	v0 =	vimm.f32 $0.0e+00;
	s10 =	smax.u32 s11, $0x1;
	s11 =	simm.s32 $0x3;
	s19 =	sadd.s32 @!p0 s19, s8  }
.LBB2_1:
0x12: {  	[tilespmem:s3], [sflag:$0x3] =	stream.linear.gather [hbm4b:s5+s3], $0x2710, $0x38;
	[tilespmem:$0x1DAA0] =	vst v63  }
0x13: {  	_ =	swait.ge [sflag:s11], $0x2710  }
0x14: {  	[sflag:s11] =	ssyncset.done $0x0  }
0x15: {  	[sflag:s11] =	ssyncadd.s32 $0xFFFFD8F0  }
0x16: {  	[tilespmem:s12], [sflag:$0x3] =	stream.linear.gather [hbm4b:s6+s3], $0x2710, $0x38;
	[tilespmem:$0x1DAA0] =	vst v63  }
0x17: {  	_ =	swait.ge [sflag:s11], $0x2710  }
0x18: {  	[sflag:s11] =	ssyncset.done $0x0  }
0x19: {  	[sflag:s11] =	ssyncadd.s32 $0xFFFFD8F0  }
0x1a: {  	[tilespmem:$0x9E20] =	vst v0  }
0x1b: {  	[tilespmem:$0x9E30] =	vst v0  }
0x1c: {  	[tilespmem:$0x9E40] =	vst v0  }
0x1d: {  	[tilespmem:$0x9E50] =	vst v0  }
0x1e: {  	[tilespmem:$0x9E60] =	vst v0  }
0x1f: {  	[tilespmem:$0x9E70] =	vst v0  }
0x20: {  	[tilespmem:$0x9E80] =	vst v0  }
0x21: {  	[tilespmem:$0x9E90] =	vst v0  }
0x22: {  	[tilespmem:$0x9EA0] =	vst v0  }
0x23: {  	[tilespmem:$0x9EB0] =	vst v0  }
0x24: {  	[tilespmem:$0x9EC0] =	vst v0  }
0x25: {  	[tilespmem:$0x9ED0] =	vst v0  }
0x26: {  	[tilespmem:$0x9EE0] =	vst v0  }
0x27: {  	[tilespmem:$0x9EF0] =	vst v0  }
0x28: {  	[tilespmem:$0x9F00] =	vst v0  }
0x29: {  	[tilespmem:$0x9F10] =	vst v0  }
0x2a: {  	[tilespmem:$0x9F20] =	vst v0  }
0x2b: {  	[tilespmem:$0x9F30] =	vst v0  }
0x2c: {  	[tilespmem:$0x9F40] =	vst v0  }
0x2d: {  	[tilespmem:$0x9F50] =	vst v0  }
0x2e: {  	[tilespmem:$0x9F60] =	vst v0  }
0x2f: {  	[tilespmem:$0x9F70] =	vst v0  }
0x30: {  	[tilespmem:$0x9F80] =	vst v0  }
0x31: {  	[tilespmem:$0x9F90] =	vst v0  }
0x32: {  	[tilespmem:$0x9FA0] =	vst v0  }
0x33: {  	[tilespmem:$0x9FB0] =	vst v0  }
0x34: {  	[tilespmem:$0x9FC0] =	vst v0  }
0x35: {  	[tilespmem:$0x9FD0] =	vst v0  }
0x36: {  	[tilespmem:$0x9FE0] =	vst v0  }
0x37: {  	[tilespmem:$0x9FF0] =	vst v0  }
0x38: {  	[tilespmem:$0xA000] =	vst v0  }
0x39: {  	[tilespmem:$0xA010] =	vst v0  }
0x3a: {  	[tilespmem:$0xA020] =	vst v0  }
0x3b: {  	[tilespmem:$0xA030] =	vst v0  }
0x3c: {  	[tilespmem:$0xA040] =	vst v0  }
0x3d: {  	[tilespmem:$0xA050] =	vst v0  }
0x3e: {  	[tilespmem:$0xA060] =	vst v0  }
0x3f: {  	[tilespmem:$0xA070] =	vst v0  }
0x40: {  	[tilespmem:$0xA080] =	vst v0  }
0x41: {  	[tilespmem:$0xA090] =	vst v0  }
0x42: {  	[tilespmem:$0xA0A0] =	vst v0  }
0x43: {  	[tilespmem:$0xA0B0] =	vst v0  }
0x44: {  	[tilespmem:$0xA0C0] =	vst v0  }
0x45: {  	[tilespmem:$0xA0D0] =	vst v0  }
0x46: {  	[tilespmem:$0xA0E0] =	vst v0  }
0x47: {  	[tilespmem:$0xA0F0] =	vst v0  }
0x48: {  	[tilespmem:$0xA100] =	vst v0  }
0x49: {  	[tilespmem:$0xA110] =	vst v0  }
0x4a: {  	[tilespmem:$0xA120] =	vst v0  }
0x4b: {  	[tilespmem:$0xA130] =	vst v0  }
0x4c: {  	[tilespmem:$0xA140] =	vst v0  }
0x4d: {  	[tilespmem:$0xA150] =	vst v0  }
0x4e: {  	[tilespmem:$0xA160] =	vst v0  }
0x4f: {  	[tilespmem:$0xA170] =	vst v0  }
0x50: {  	[tilespmem:$0xA180] =	vst v0  }
0x51: {  	[tilespmem:$0xA190] =	vst v0  }
0x52: {  	[tilespmem:$0xA1A0] =	vst v0  }
0x53: {  	[tilespmem:$0xA1B0] =	vst v0  }
0x54: {  	[tilespmem:$0xA1C0] =	vst v0  }
.Ltmp0:
0x55: {  	[tilespmem:$0xA1D0] =	vst v0;
	(pc) =	sbr.rel @!p0 .LBB2_2-.Ltmp0, $4  }
0x56: {  	[tilespmem:$0xA1E0] =	vst v0  }
0x57: {  	[tilespmem:$0xA1F0] =	vst v0  }
0x58: {  	[tilespmem:$0xA200] =	vst v0  }
0x59: {  	s22 =	sshra.s32 s3, $0x2;
	[tilespmem:$0xA210] =	vst v0  }
0x5a: {  	s22 =	sadd.s32 s22, s9  }
0x5b: {  	[spmem:s22] =	stream.linear.scatter [tilespmem:s13], [sflag:$0x3], $0x400, $0x38;
	[tilespmem:$0x1DAA0] =	vst v63  }
0x5c: {  	s22 =	sadd.s32 $0x1000, s3;
	_ =	swait.ge [sflag:s11], $0x400  }
.LBB2_6:
0x5d: {  	s23 =	sshra.s32 s22, $0x2;
	[sflag:s11] =	ssyncset.done $0x0;
	p1 =	sne.s32 s22, $0x40000  }
.Ltmp1:
0x5e: {  	s23 =	sadd.s32 s23, s9;
	[sflag:s11] =	ssyncadd.s32 $0xFFFFFC00;
	(pc) =	sbr.rel @p1 .LBB2_6-.Ltmp1, $3  }
0x5f: {  	[spmem:s23] =	stream.linear.scatter [tilespmem:s13], [sflag:$0x3], $0x400, $0x38;
	[tilespmem:$0x1DAA0] =	vst v63  }
0x60: {  	s22 =	sadd.s32 $0x1000, s22;
	_ =	sdelay $0x1  }
0x61: {  	_ =	swait.ge [sflag:s11], $0x400  }
.Ltmp2:
0x62: {  	(pc) =	sbr.rel .LBB2_8-.Ltmp2, $3  }
0x63: {  	_ =	sdelay $0x1  }
0x64: {  	[sflag:s11] =	ssyncset.done $0x0  }
0x65: {  	[sflag:s11] =	ssyncadd.s32 $0xFFFFFC00  }
.LBB2_2:
0x66: {  	s22 =	sadd.s32 s22, s7  }
0x67: {  	[spmem:s22] =	stream.linear.scatter [tilespmem:s13], [sflag:$0x3], $0x400, $0x38;
	[tilespmem:$0x1DAA0] =	vst v63  }
0x68: {  	s22 =	sadd.s32 $0x1000, s3;
	_ =	swait.ge [sflag:s11], $0x400  }
.LBB2_3:
0x69: {  	s23 =	sshra.s32 s22, $0x2;
	[sflag:s11] =	ssyncset.done $0x0;
	p1 =	seq.s32 s22, $0x4E000  }
.Ltmp3:
0x6a: {  	s23 =	sadd.s32 s23, s7;
	[sflag:s11] =	ssyncadd.s32 $0xFFFFFC00;
	(pc) =	sbr.rel @!p1 .LBB2_3-.Ltmp3, $3  }
0x6b: {  	[spmem:s23] =	stream.linear.scatter [tilespmem:s13], [sflag:$0x3], $0x400, $0x38;
	[tilespmem:$0x1DAA0] =	vst v63  }
0x6c: {  	s22 =	sadd.s32 $0x1000, s22;
	_ =	sdelay $0x1  }
0x6d: {  	_ =	swait.ge [sflag:s11], $0x400  }
0x6e: {  	[sflag:s11] =	ssyncset.done $0x0  }
0x6f: {  	[sflag:s11] =	ssyncadd.s32 $0xFFFFFC00  }
.LBB2_8:
0x70: {  	[bflag:$0x0] =	sbarrier.arrive $0xFFFF;
	s22 =	simm.s32 $0x50;
	s23 =	simm.s32 $0x0  }
0x71: {  	[tilespmem:s14], [sflag:$0x1] =	stream.indirect.gather [hbm4b:s4+s22], $0x80, s23, s22, $0xb8;
	[tilespmem:$0x1DAA0] =	vst v63  }
0x72: {  	s23 =	sand.u32 $0x1, s23  }
0x73: {  	p1 =	seq.s32 s23, $0x1  }
0x74: {  	s23 =	simm.s32 @p1 $0x50;
	s24 =	simm.s32 @p1 $0x4E20;
	s25 =	simm.s32 @p1 $0x2  }
0x75: {  	[tilespmem:s24], [sflag:$0x1] =	stream.indirect.gather @p1 [hbm4b:s4+s23], $0x80, s22, s23, $0xb8;
	[tilespmem:$0x1DAA0] =	vst v63  }
0x76: {  	_ =	swait.ge @p1 [sflag:s25], $0x2800  }
0x77: {  	[sflag:s25] =	ssyncset.done @p1 $0x0  }
0x78: {  	s24 =	simm.s32 $0x2710;
	[sflag:s25] =	ssyncadd.s32 @p1 $0xFFFFD800;
	s25 =	simm.s32 @p1 $0x7620  }
0x79: {  	[spmem:s2] =	stream.indirect.scatter.add.f32 @p1 [tilespmem:s25], [sflag:$0x3], $0x80, s24, s23, $0xb8;
	[tilespmem:$0x1DAA0] =	vst v63  }
0x7a: {  	s26 =	simm.s32 @!p1 $0x1;
	s23 =	simm.s32 @!p1 $0x50;
	s25 =	simm.s32 @!p1 $0x7620  }
0x7b: {  	[tilespmem:s25], [sflag:$0x2] =	stream.indirect.gather @!p1 [hbm4b:s4+s23], $0x80, s22, s23, $0xb8;
	[tilespmem:$0x1DAA0] =	vst v63  }
0x7c: {  	_ =	swait.ge @!p1 [sflag:s26], $0x2800  }
0x7d: {  	s31 =	simm.s32 $0x1;
	s25 =	simm.s32 @!p1 $0x4;
	[sflag:s26] =	ssyncset.done @!p1 $0x0  }
0x7e: {  	s25 =	simm.s32 @p1 $0x3;
	[sflag:s26] =	ssyncadd.s32 @!p1 $0xFFFFD800;
	s26 =	simm.s32 @!p1 $0x4E20  }
0x7f: {  	[spmem:s2] =	stream.indirect.scatter.add.f32 @!p1 [tilespmem:s26], [sflag:$0x4], $0x80, s24, s23, $0xb8;
	[tilespmem:$0x1DAA0] =	vst v63  }
0x80: {  	s22 =	simm.s32 $0x2760;
	s24 =	simm.s32 $0x2;
	_ =	swait.ge [sflag:s25], $0x2800  }
0x81: {  	s23 =	simm.s32 $0xA0;
	s26 =	sand.u32 $0x1, s31;
	[sflag:s25] =	ssyncset.done $0x0  }
.LBB2_9:
0x82: {  	p1 =	seq.s32 s26, $0x1  }
0x83: {  	[sflag:s25] =	ssyncadd.s32 $0xFFFFD800;
	s26 =	smov.u32 s24;
	s24 =	sadd.s32 $0x1, s24  }
0x84: {  	s28 =	simm.s32 @p1 $0x50;
	s25 =	simm.s32 @p1 $0x4E20;
	s29 =	simm.s32 @p1 $0x2  }
0x85: {  	[tilespmem:s25], [sflag:$0x1] =	stream.indirect.gather @p1 [hbm4b:s4+s28], $0x80, s23, s28, $0xb8;
	[tilespmem:$0x1DAA0] =	vst v63  }
0x86: {  	p2 =	sne.s32 s24, $0x7C;
	s25 =	simm.s32 @!p1 $0x4;
	_ =	swait.ge @p1 [sflag:s29], $0x2800  }
0x87: {  	[sflag:s29] =	ssyncset.done @p1 $0x0  }
0x88: {  	[sflag:s29] =	ssyncadd.s32 @p1 $0xFFFFD800;
	s29 =	simm.s32 @p1 $0x7620  }
0x89: {  	[spmem:s2] =	stream.indirect.scatter.add.f32 @p1 [tilespmem:s29], [sflag:$0x3], $0x80, s22, s28, $0xb8;
	[tilespmem:$0x1DAA0] =	vst v63  }
0x8a: {  	s30 =	simm.s32 @!p1 $0x1;
	s28 =	simm.s32 @!p1 $0x50;
	s29 =	simm.s32 @!p1 $0x7620  }
0x8b: {  	[tilespmem:s29], [sflag:$0x2] =	stream.indirect.gather @!p1 [hbm4b:s4+s28], $0x80, s23, s28, $0xb8;
	[tilespmem:$0x1DAA0] =	vst v63  }
0x8c: {  	_ =	swait.ge @!p1 [sflag:s30], $0x2800  }
.Ltmp4:
0x8d: {  	[sflag:s30] =	ssyncset.done @!p1 $0x0;
	(pc) =	sbr.rel @p2 .LBB2_9-.Ltmp4, $4  }
0x8e: {  	s25 =	simm.s32 @p1 $0x3;
	s29 =	simm.s32 @!p1 $0x4E20;
	[sflag:s30] =	ssyncadd.s32 @!p1 $0xFFFFD800  }
0x8f: {  	[spmem:s2] =	stream.indirect.scatter.add.f32 @!p1 [tilespmem:s29], [sflag:$0x4], $0x80, s22, s28, $0xb8;
	[tilespmem:$0x1DAA0] =	vst v63  }
0x90: {  	s23 =	sadd.s32 $0x50, s23;
	_ =	swait.ge [sflag:s25], $0x2800  }
0x91: {  	s26 =	sand.u32 $0x1, s26;
	s22 =	sadd.s32 $0x50, s22;
	[sflag:s25] =	ssyncset.done $0x0  }
0x92: {  	p1 =	seq.s32 s26, $0x1;
	[sflag:s25] =	ssyncadd.s32 $0xFFFFD800  }
0x93: {  	s24 =	simm.s32 @p1 $0x50;
	s25 =	simm.s32 @p1 $0x4E20;
	s26 =	simm.s32 @p1 $0x2  }
0x94: {  	[tilespmem:s25], [sflag:$0x1] =	stream.indirect.gather @p1 [hbm4b:s4+s24], $0x80, s23, s24, $0xb8;
	[tilespmem:$0x1DAA0] =	vst v63  }
0x95: {  	_ =	swait.ge @p1 [sflag:s26], $0x2800  }
0x96: {  	[sflag:s26] =	ssyncset.done @p1 $0x0  }
0x97: {  	s25 =	simm.s32 @p1 $0x7620;
	[sflag:s26] =	ssyncadd.s32 @p1 $0xFFFFD800  }
0x98: {  	[spmem:s2] =	stream.indirect.scatter.add.f32 @p1 [tilespmem:s25], [sflag:$0x3], $0x80, s22, s24, $0xb8;
	[tilespmem:$0x1DAA0] =	vst v63  }
0x99: {  	s26 =	simm.s32 @!p1 $0x1;
	s24 =	simm.s32 @!p1 $0x50;
	s25 =	simm.s32 @!p1 $0x7620  }
0x9a: {  	[tilespmem:s25], [sflag:$0x2] =	stream.indirect.gather @!p1 [hbm4b:s4+s24], $0x80, s23, s24, $0xb8;
	[tilespmem:$0x1DAA0] =	vst v63  }
0x9b: {  	_ =	swait.ge @!p1 [sflag:s26], $0x2800  }
0x9c: {  	s23 =	simm.s32 @!p1 $0x4;
	[sflag:s26] =	ssyncset.done @!p1 $0x0  }
0x9d: {  	s25 =	simm.s32 @!p1 $0x4E20;
	s23 =	simm.s32 @p1 $0x3;
	[sflag:s26] =	ssyncadd.s32 @!p1 $0xFFFFD800  }
0x9e: {  	[spmem:s2] =	stream.indirect.scatter.add.f32 @!p1 [tilespmem:s25], [sflag:$0x4], $0x80, s22, s24, $0xb8;
	[tilespmem:$0x1DAA0] =	vst v63  }
0x9f: {  	_ =	swait.ge [sflag:s23], $0x2800  }
0xa0: {  	[sflag:s23] =	ssyncset.done $0x0  }
0xa1: {  	[sflag:s23] =	ssyncadd.s32 $0xFFFFD800  }
0xa2: {  	_ =	swait.ge [sflag:s15], $0x2800  }
0xa3: {  	[sflag:s15] =	ssyncset.done $0x0  }
0xa4: {  	[sflag:s15] =	ssyncadd.s32 $0xFFFFD800  }
0xa5: {  	[spmem:s2] =	stream.indirect.scatter.add.f32 [tilespmem:s14], [sflag:$0x4], $0x80, s17, s16, $0xb8;
	[tilespmem:$0x1DAA0] =	vst v63  }
0xa6: {  	_ =	swait.ge [sflag:s18], $0x2800  }
0xa7: {  	[sflag:s18] =	ssyncset.done $0x0  }
0xa8: {  	s22 =	sadd.s32 @p0 $0x25080, s8;
	[sflag:s18] =	ssyncadd.s32 $0xFFFFD800  }
0xa9: {  	s24 =	simm.s32 @p0 $0x1FC3;
	s23 =	sshrl.u32 @p0 s9, $0x3;
	[bflag:$0x0] =	sbarrier.arrive $0xFFFF  }
0xaa: {  	[hbm:s22], [sflag:s24] =	dma.local @p0 [spmem:s23], $0x2080  }
0xab: {  	s22 =	simm.s32 @p0 $0x3  }
0xac: {  	_ =	swait.ge @p0 [sflag:s22], $0x2080  }
0xad: {  	s21 =	sadd.s32 $0x1, s21;
	s23 =	sshll.u32 @!p0 s1, $0x6;
	[sflag:s22] =	ssyncset.done @p0 $0x0  }
0xae: {  	p1 =	sne.s32 s21, s10;
	[sflag:s22] =	ssyncadd.s32 @p0 $0xFFFFDF80;
	s22 =	sor.u32 @!p0 $0x1C03, s23  }
0xaf: {  	[hbm:s19], [sflag:s22] =	dma.local @!p0 [spmem:s20], $0x2780  }
.Ltmp5:
0xb0: {  	_ = 	snop;
	(pc) =	sbr.rel @p1 .LBB2_1-.Ltmp5, $4  }
0xb1: {  	s22 =	simm.s32 @!p0 $0x3  }
0xb2: {  	_ =	swait.ge @!p0 [sflag:s22], $0x2780  }
0xb3: {  	[sflag:s22] =	ssyncset.done @!p0 $0x0  }
0xb4: {  	[sflag:s22] =	ssyncadd.s32 @!p0 $0xFFFFD880  }
0xb5: {  	_ =	sfence.sel $0x180000  }
0xb6: {  	[bflag:$0x0] =	sbarrier.arrive $0xFFFF  }
0xb7: {  	p0 =	sne.s32 s1, $0x0;
	_ =	strace $0x9000004A  }
0xb8: {  	s0 =	sadd.s32 @!p0 $0x100000, s0;
	[bflag:$0x2] =	sbarrier.arrive $0xFFFF  }
0xb9: {  	[sflag:s0] =	ssyncadd.tile.s32 @!p0 $0x1;
	_ =	shalt  }
.Lfunc_end2:
_tile_overlayer_lowered:
.L_overlay_start_2:
0xba: {  	(tag) =	ssettag $0x2  }
0xbb: {  	s0 =	rddreg [dreg:$0x0];
	s2 =	stileid.u32  }
0xbc: {  	s1 =	rddreg [dreg:$0x1];
	p0 =	sne.s32 s2, $0x0  }
0xbd: {  	s3 =	rddreg [dreg:$0x2];
	[bflag:$0x3] =	sbarrier.arrive $0xFFFF;
	s2 =	simm.s32 @!p0 $0x1C03  }
0xbe: {  	[timem:s3], [sflag:s2] =	dma.local @!p0 [hbm:s0], s1  }
0xbf: {  	s0 =	simm.s32 @!p0 $0x3  }
0xc0: {  	_ =	swait.ge @!p0 [sflag:s0], s1  }
0xc1: {  	s1 =	ssub.s32 @!p0 $0x0, s1;
	[sflag:s0] =	ssyncset.done @!p0 $0x0  }
0xc2: {  	[sflag:s0] =	ssyncadd.s32 @!p0 s1  }
0xc3: {  	[bflag:$0x3] =	sbarrier.arrive $0xFFFF  }
0xc4: {  	_ =	shalt  }

// kernel: kernel.7.cloned.1.call-start
scs
__scs_entry_jumppad:
0x0: {  	(pc) =	sbr.rel $0x88, $3  }
0x1: {  	(tag) =	ssettag $0x0;
	lr =	simm.s32 $0x1  }
0x2: {  	[smem:$0x3F98] =	sst lr;
	_ =	strace $0xD0000000  }
0x3: {  	_ = 	snop  }
0x4: {  	_ = 	snop  }
0x5: {  	_ = 	snop  }
0x6: {  	_ = 	snop  }
0x7: {  	_ = 	snop  }
__scs_overlays_trampoline_lowered:
0x8: {  	[smem:$0x3FA7] =	sst s0  }
0x9: {  	[smem:$0x3FA8] =	sst s1  }
0xa: {  	[smem:$0x3FA9] =	sst s2  }
0xb: {  	[smem:$0x3FAA] =	sst s3  }
0xc: {  	[smem:$0x3FAB] =	sst s4  }
0xd: {  	[smem:$0x3FAC] =	sst s5  }
0xe: {  	[smem:$0x3FAD] =	sst s6  }
0xf: {  	[smem:$0x3FAE] =	sst s7  }
0x10: {  	[smem:$0x3FAF] =	sst s8  }
0x11: {  	[smem:$0x3FB0] =	sst s9;
	s0 =	simm.s32 @!p0 $0x0  }
0x12: {  	s1 =	sld [smem:$0x3F96];
	s0 =	simm.s32 @p0 $0x1  }
0x13: {  	[smem:$0x3FB1] =	sst s0;
	s0 =	simm.s32 @!p1 $0x0  }
0x14: {  	s2 =	sld [smem:$0x3F95];
	s0 =	simm.s32 @p1 $0x1  }
0x15: {  	[smem:$0x3FB2] =	sst s0;
	s0 =	simm.s32 @!p2 $0x0  }
0x16: {  	s3 =	sld [smem:$0x3FDB];
	s0 =	simm.s32 @p2 $0x1  }
0x17: {  	s4 =	simm.s32 $0x1BF5;
	[smem:$0x3FB4] =	sst s0  }
0x18: {  	s0 =	sld [smem:$0x3F97];
	_ =	swait.ge [sflag:s4], $0x0  }
0x19: {  	s7 =	sld [smem:$0x3F98]  }
0x1a: {  	s8 =	sadd.s32 $0xFFFFE003, lr  }
0x1b: {  	s9 =	sadd.s32 $0xFFFFFEF7, lr;
	s5 =	simm.s32 $0xFFFFFFFF;
	p2 =	slt.u32 s8, $0xFFFFF086  }
0x1c: {  	p1 =	slt.u32 s9, $0xF7A;
	s5 =	simm.s32 @!p2 $0x0  }
0x1d: {  	s5 =	simm.s32 @p1 $0x1;
	p0 =	seq.s32 s7, s2  }
0x1e: {  	s7 =	smul.u32 @!p0 $0xF7A, s2;
	p2 =	seq.s32 @!p0 s5, $0x0  }
0x1f: {  	s9 =	smul.u32 $0xF7A, s1;
	s8 =	simm.s32 @!p0 $0x1BF5;
	p2 =	por !p2, p0  }
0x20: {  	[sflag:s8] =	ssyncset.s32 @!p0 $0xFFFFF086;
	s6 =	sadd.s32 @!p0 s3, s7;
	s7 =	simm.s32 @!p0 $0x108  }
0x21: {  	s3 =	sadd.s32 s3, s9;
	s6 =	sadd.s32 @!p0 $0x88, s6;
	s7 =	simm.s32 @p2 $0x1082  }
0x22: {  	[simem:s7], [sflag:s8] =	dma.local @!p0 [hbm:s6], $0xF7A  }
0x23: {  	s9 =	sor.u32 $0xD0000000, s2;
	s6 =	simm.s32 $0x108;
	_ =	swait.ge @!p0 [sflag:s8], $0x0  }
0x24: {  	s3 =	sadd.s32 $0x88, s3;
	s6 =	simm.s32 @!p1 $0x1082;
	[sflag:s4] =	ssyncset.s32 $0xFFFFF086  }
0x25: {  	[simem:s6], [sflag:s4] =	dma.local [hbm:s3], $0xF7A  }
0x26: {  	[smem:$0x3F98] =	sst s1;
	(tag) =	ssettag s2;
	_ =	strace s9  }
0x27: {  	s1 =	sld [smem:$0x3FA8]  }
0x28: {  	s2 =	sld [smem:$0x3FA9]  }
0x29: {  	s4 =	sld [smem:$0x3FAB]  }
0x2a: {  	p0 =	seq.s32 s5, $0x0;
	s5 =	sld [smem:$0x3FAC]  }
0x2b: {  	s6 =	sld [smem:$0x3FAD]  }
0x2c: {  	s7 =	sld [smem:$0x3FAE]  }
0x2d: {  	s3 =	simm.s32 $0x108;
	s8 =	sld [smem:$0x3FAF]  }
0x2e: {  	s3 =	simm.s32 @!p0 $0x1082;
	s9 =	sld [smem:$0x3FB0]  }
0x2f: {  	lr =	sadd.s32 s0, s3;
	s0 =	sld [smem:$0x3FA7]  }
0x30: {  	s3 =	sld [smem:$0x3FAA]  }
0x31: {  	[smem:$0x3FB3] =	sst s10  }
0x32: {  	s10 =	sld [smem:$0x3FB1];
	_ =	sdelay $0x3  }
0x33: {  	p0 =	seq.s32 s10, $0x1;
	s10 =	sld [smem:$0x3FB3];
	_ =	sdelay $0x3  }
0x34: {  	[smem:$0x3FB3] =	sst s10  }
0x35: {  	s10 =	sld [smem:$0x3FB2];
	_ =	sdelay $0x3  }
0x36: {  	p1 =	seq.s32 s10, $0x1;
	s10 =	sld [smem:$0x3FB3];
	_ =	sdelay $0x3  }
0x37: {  	[smem:$0x3FB3] =	sst s10  }
0x38: {  	s10 =	sld [smem:$0x3FB4]  }
0x39: {  	_ = 	snop;
	(pc) =	sbr.ind lr, $3  }
0x3a: {  	_ = 	snop  }
0x3b: {  	_ = 	snop  }
0x3c: {  	p2 =	seq.s32 s10, $0x1;
	s10 =	sld [smem:$0x3FB3]  }
0x3d: {  	_ =	shalt  }
0x3e: {  	_ =	shalt  }
0x3f: {  	_ =	shalt  }
0x40: {  	_ =	shalt  }
0x41: {  	_ =	shalt  }
0x42: {  	_ =	shalt  }
0x43: {  	_ =	shalt  }
0x44: {  	_ =	shalt  }
0x45: {  	_ =	shalt  }
0x46: {  	_ =	shalt  }
0x47: {  	_ =	shalt  }
0x48: {  	_ =	shalt  }
0x49: {  	_ =	shalt  }
0x4a: {  	_ =	shalt  }
0x4b: {  	_ =	shalt  }
0x4c: {  	_ =	shalt  }
0x4d: {  	_ =	shalt  }
0x4e: {  	_ =	shalt  }
0x4f: {  	_ =	shalt  }
0x50: {  	_ =	shalt  }
0x51: {  	_ =	shalt  }
0x52: {  	_ =	shalt  }
0x53: {  	_ =	shalt  }
0x54: {  	_ =	shalt  }
0x55: {  	_ =	shalt  }
0x56: {  	_ =	shalt  }
0x57: {  	_ =	shalt  }
0x58: {  	_ =	shalt  }
0x59: {  	_ =	shalt  }
0x5a: {  	_ =	shalt  }
0x5b: {  	_ =	shalt  }
0x5c: {  	_ =	shalt  }
0x5d: {  	_ =	shalt  }
0x5e: {  	_ =	shalt  }
0x5f: {  	_ =	shalt  }
0x60: {  	_ =	shalt  }
0x61: {  	_ =	shalt  }
0x62: {  	_ =	shalt  }
0x63: {  	_ =	shalt  }
0x64: {  	_ =	shalt  }
0x65: {  	_ =	shalt  }
0x66: {  	_ =	shalt  }
0x67: {  	_ =	shalt  }
0x68: {  	_ =	shalt  }
0x69: {  	_ =	shalt  }
0x6a: {  	_ =	shalt  }
0x6b: {  	_ =	shalt  }
0x6c: {  	_ =	shalt  }
0x6d: {  	_ =	shalt  }
0x6e: {  	_ =	shalt  }
0x6f: {  	_ =	shalt  }
0x70: {  	_ =	shalt  }
0x71: {  	_ =	shalt  }
0x72: {  	_ =	shalt  }
0x73: {  	_ =	shalt  }
0x74: {  	_ =	shalt  }
0x75: {  	_ =	shalt  }
0x76: {  	_ =	shalt  }
0x77: {  	_ =	shalt  }
0x78: {  	_ =	shalt  }
0x79: {  	_ =	shalt  }
0x7a: {  	_ =	shalt  }
0x7b: {  	_ =	shalt  }
0x7c: {  	_ =	shalt  }
0x7d: {  	_ =	shalt  }
0x7e: {  	_ =	shalt  }
0x7f: {  	_ =	shalt  }
0x80: {  	_ =	shalt  }
0x81: {  	_ =	shalt  }
0x82: {  	_ =	shalt  }
0x83: {  	_ =	shalt  }
0x84: {  	_ =	shalt  }
0x85: {  	_ =	shalt  }
0x86: {  	_ =	shalt  }
0x87: {  	_ =	shalt  }
.Lfunc_end0:
.L_simem_size_0:
called_computation_lowered:
.L_overlay_start_0:
0x88: {  	s2 =	sld [smem:$0x3FD9]  }
0x89: {  	s3 =	sld [smem:$0x3FFE];
	_ =	sdelay $0x1  }
0x8a: {  	s1 =	srdreg.scid  }
0x8b: {  	s0 =	sand.u32 $0x1, s1  }
0x8c: {  	s17 =	sshll.u32 s0, $0xA;
	s2 =	sadd.s32 s3, s2  }
0x8d: {  	s2 =	sadd.s32 s2, s17  }
0x8e: {  	[smem:$0x3FBF] =	sst s2  }
0x8f: {  	_ = 	snop  }
0x90: {  	s2 =	sld [smem:$0x3FD0];
	(tm) =	ssettm $0x1  }
0x91: {  	s18 =	sld [smem:$0x3FFB];
	_ =	sdelay $0x3  }
0x92: {  	_ =	strace s18  }
0x93: {  	s3 =	sld [smem:$0x3FFC];
	_ =	sdelay $0x3  }
0x94: {  	_ =	strace s3  }
0x95: {  	s3 =	sld [smem:$0x3FFD];
	_ =	sdelay $0x3  }
0x96: {  	_ =	strace s3  }
0x97: {  	_ =	strace $0x8FFFFFFF  }
0x98: {  	s19 =	sld [smem:$0x3FDB];
	_ =	sdelay $0x1  }
0x99: {  	s4 =	simm.s32 $_scs_section_size  }
0x9a: {  	s5 =	simm.s32 $_size__tile_overlayer_lowered;
	s6 =	simm.s32 $_tile_overlayer_lowered  }
0x9b: {  	s22 =	simm.s32 $0x1BFF;
	s21 =	sshll.u32 s6, $0x1;
	s3 =	sadd.s32 s4, s19  }
0x9c: {  	s7 =	simm.s32 $0x0;
	s20 =	sshll.u32 s5, $0x1;
	s5 =	sadd.s32 s21, s3  }
0x9d: {  	[timem:s7], [sflag:s22] =	dma.local [hbm:s5], s20  }
0x9e: {  	_ =	swait.ge [sflag:s22], s20  }
0x9f: {  	s4 =	ssub.s32 $0x0, s20;
	[sflag:s22] =	ssyncset.done $0x0  }
0xa0: {  	[sflag:s22] =	ssyncadd.s32 s4;
	_ =	sdelay $0x1  }
0xa1: {  	s23 =	simm.s32 $0x1B8B  }
0xa2: {  	_ =	swait.ge [sflag:s23], $0x1  }
0xa3: {  	[sflag:s23] =	ssyncset.done $0x0  }
0xa4: {  	s25 =	simm.s32 $0x1B8E;
	s24 =	sld [smem:$0x3FFE];
	[sflag:s23] =	ssyncadd.s32 $0xFFFFFFFF  }
0xa5: {  	s26 =	simm.s32 $execute0_lowered;
	[smem:$0x3FD2] =	sst s25  }
0xa6: {  	s5 =	sshll.u32 s26, $0x1;
	_ =	strace $0x80000046;
	[dreg:$0x1] =	wrdreg $0xFFFFFFFF  }
0xa7: {  	s28 =	simm.s32 $_size_execute0_lowered;
	s3 =	sadd.s32 s3, s5;
	[dreg:$0x0] =	wrdreg $0x0  }
0xa8: {  	s5 =	sshll.u32 s28, $0x1;
	[dreg:$0x2] =	wrdreg s3  }
0xa9: {  	[dreg:$0x3] =	wrdreg s5  }
0xaa: {  	[dreg:$0x4] =	wrdreg $0xC0  }
0xab: {  	_ =	task [dreg:s7], $0x5FFFF  }
0xac: {  	[dreg:$0x1] =	wrdreg $0xFFFFFFFF  }
0xad: {  	[dreg:$0x0] =	wrdreg $0x60  }
0xae: {  	[dreg:$0x2] =	wrdreg s24  }
0xaf: {  	[dreg:$0x3] =	wrdreg s2  }
0xb0: {  	[dreg:$0x4] =	wrdreg $0xA2200  }
0xb1: {  	[dreg:$0x5] =	wrdreg $0x9  }
0xb2: {  	_ =	task.clear_ibuf [dreg:s7], $0x6FFFF;
	_ =	strace $0x90000046  }
0xb3: {  	s29 =	simm.s32 $0x9;
	_ =	strace $0x80000048  }
0xb4: {  	_ =	swait.ge [sflag:s29], $0x1  }
0xb5: {  	[sflag:s29] =	ssyncadd.s32 $0xFFFFFFFF  }
0xb6: {  	_ =	strace $0x90000048  }
0xb7: {  	_ =	sfence  }
0xb8: {  	s30 =	sld [smem:$0x0];
	_ =	sdelay $0x2  }
0xb9: {  	s31 =	sshll.u32 s1, $0xD;
	s1 =	sshrl.u32 s1, $0x2  }
0xba: {  	s3 =	sand.u32 $0x4000, s31;
	s1 =	sadd.s32 s1, s30  }
0xbb: {  	s0 =	sor.u32 s3, s0;
	s1 =	sshll.u32 s1, $0x11  }
0xbc: {  	s0 =	sor.u32 s1, s0  }
0xbd: {  	s0 =	sadd.s32 $0x8F2B, s0  }
0xbe: {  	[sflag:s0] =	ssyncadd.remote.s32 $0x1  }
0xbf: {  	_ =	sfence.sel $0xFFFF  }
0xc0: {  	[dreg:$0x0] =	wrdreg $0xFFFFFFFF;
	(pc) =	sbr.abs _section_cstart, $3  }
0xc1: {  	[dreg:$0x1] =	wrdreg $0xFFFFFFFF  }
0xc2: {  	_ =	task.clear_ibuf [dreg:s7], $0x2FFFF;
	_ =	strace $0x9FFFFFFF  }
0xc3: {  	(tm) =	ssettm $0x7FFFFFFF  }
tec
execute0_lowered:
.L_overlay_start_1:
0x0: {  	(tag) =	ssettag $0x1  }
0x1: {  	s5 =	rddreg [dreg:$0x0]  }
0x2: {  	s6 =	rddreg [dreg:$0x1]  }
0x3: {  	s2 =	rddreg [dreg:$0x2]  }
0x4: {  	s0 =	rddreg [dreg:$0x3]  }
0x5: {  	s4 =	srdreg.scid;
	s1 =	stileid.u32;
	s3 =	simm.s32 $0x0  }
0x6: {  	s14 =	simm.s32 $0x4E20;
	s15 =	simm.s32 $0x1;
	s16 =	simm.s32 $0x50  }
0x7: {  	s17 =	simm.s32 $0x4DD0;
	s18 =	simm.s32 $0x4;
	s21 =	simm.s32 $0x0  }
0x8: {  	s7 =	sand.u32 $0x1, s4;
	s30 =	sshll.u32 s1, $0x1;
	s12 =	smul.u32 $0x4F000, s1  }
0x9: {  	[smem:$0x7FF] =	sst s3;
	s13 =	smul.u32 $0x13C00, s1;
	p0 =	seq.s32 s1, $0xF  }
0xa: {  	s4 =	sor.u32 s7, s30;
	_ =	strace $0x80000047;
	s9 =	smul.u32 $0x27100, s7  }
0xb: {  	s7 =	ssub.s32 $0x2, s7;
	s8 =	smul.u32 $0x4E2, s4;
	s4 =	sadd.s32 $0xB800, s5  }
0xc: {  	s11 =	sshrl.u32 s7, $0x1;
	s31 =	sshrl.u32 s12, $0x2;
	s19 =	sshrl.u32 s13, $0x3  }
0xd: {  	s20 =	sadd.s32 s13, s2;
	s12 =	simm.s32 $0x2710;
	s13 =	simm.s32 $0x9E20  }
0xe: {  	s9 =	sadd.s32 s9, s5;
	s11 =	ssub.s32 s7, s11;
	s7 =	sadd.s32 s31, s2  }
0xf: {  	s10 =	sadd.s32 s8, s5;
	s6 =	sadd.s32 s6, s8;
	s8 =	sadd.s32 $0x42A400, s9  }
0x10: {  	s20 =	sshrl.u32 @!p0 s20, $0x3;
	s9 =	sadd.s32 $0x128400, s2;
	s5 =	sadd.s32 $0x1A00, s10  }
0x11: {  	v0 =	vimm.f32 $0.0e+00;
	s10 =	smax.u32 s11, $0x1;
	s11 =	simm.s32 $0x3;
	s19 =	sadd.s32 @!p0 s19, s8  }
.LBB2_1:
0x12: {  	[tilespmem:s3], [sflag:$0x3] =	stream.linear.gather [hbm4b:s5+s3], $0x2710, $0x38;
	[tilespmem:$0x1DAA0] =	vst v63  }
0x13: {  	_ =	swait.ge [sflag:s11], $0x2710  }
0x14: {  	[sflag:s11] =	ssyncset.done $0x0  }
0x15: {  	[sflag:s11] =	ssyncadd.s32 $0xFFFFD8F0  }
0x16: {  	[tilespmem:s12], [sflag:$0x3] =	stream.linear.gather [hbm4b:s6+s3], $0x2710, $0x38;
	[tilespmem:$0x1DAA0] =	vst v63  }
0x17: {  	_ =	swait.ge [sflag:s11], $0x2710  }
0x18: {  	[sflag:s11] =	ssyncset.done $0x0  }
0x19: {  	[sflag:s11] =	ssyncadd.s32 $0xFFFFD8F0  }
0x1a: {  	[tilespmem:$0x9E20] =	vst v0  }
0x1b: {  	[tilespmem:$0x9E30] =	vst v0  }
0x1c: {  	[tilespmem:$0x9E40] =	vst v0  }
0x1d: {  	[tilespmem:$0x9E50] =	vst v0  }
0x1e: {  	[tilespmem:$0x9E60] =	vst v0  }
0x1f: {  	[tilespmem:$0x9E70] =	vst v0  }
0x20: {  	[tilespmem:$0x9E80] =	vst v0  }
0x21: {  	[tilespmem:$0x9E90] =	vst v0  }
0x22: {  	[tilespmem:$0x9EA0] =	vst v0  }
0x23: {  	[tilespmem:$0x9EB0] =	vst v0  }
0x24: {  	[tilespmem:$0x9EC0] =	vst v0  }
0x25: {  	[tilespmem:$0x9ED0] =	vst v0  }
0x26: {  	[tilespmem:$0x9EE0] =	vst v0  }
0x27: {  	[tilespmem:$0x9EF0] =	vst v0  }
0x28: {  	[tilespmem:$0x9F00] =	vst v0  }
0x29: {  	[tilespmem:$0x9F10] =	vst v0  }
0x2a: {  	[tilespmem:$0x9F20] =	vst v0  }
0x2b: {  	[tilespmem:$0x9F30] =	vst v0  }
0x2c: {  	[tilespmem:$0x9F40] =	vst v0  }
0x2d: {  	[tilespmem:$0x9F50] =	vst v0  }
0x2e: {  	[tilespmem:$0x9F60] =	vst v0  }
0x2f: {  	[tilespmem:$0x9F70] =	vst v0  }
0x30: {  	[tilespmem:$0x9F80] =	vst v0  }
0x31: {  	[tilespmem:$0x9F90] =	vst v0  }
0x32: {  	[tilespmem:$0x9FA0] =	vst v0  }
0x33: {  	[tilespmem:$0x9FB0] =	vst v0  }
0x34: {  	[tilespmem:$0x9FC0] =	vst v0  }
0x35: {  	[tilespmem:$0x9FD0] =	vst v0  }
0x36: {  	[tilespmem:$0x9FE0] =	vst v0  }
0x37: {  	[tilespmem:$0x9FF0] =	vst v0  }
0x38: {  	[tilespmem:$0xA000] =	vst v0  }
0x39: {  	[tilespmem:$0xA010] =	vst v0  }
0x3a: {  	[tilespmem:$0xA020] =	vst v0  }
0x3b: {  	[tilespmem:$0xA030] =	vst v0  }
0x3c: {  	[tilespmem:$0xA040] =	vst v0  }
0x3d: {  	[tilespmem:$0xA050] =	vst v0  }
0x3e: {  	[tilespmem:$0xA060] =	vst v0  }
0x3f: {  	[tilespmem:$0xA070] =	vst v0  }
0x40: {  	[tilespmem:$0xA080] =	vst v0  }
0x41: {  	[tilespmem:$0xA090] =	vst v0  }
0x42: {  	[tilespmem:$0xA0A0] =	vst v0  }
0x43: {  	[tilespmem:$0xA0B0] =	vst v0  }
0x44: {  	[tilespmem:$0xA0C0] =	vst v0  }
0x45: {  	[tilespmem:$0xA0D0] =	vst v0  }
0x46: {  	[tilespmem:$0xA0E0] =	vst v0  }
0x47: {  	[tilespmem:$0xA0F0] =	vst v0  }
0x48: {  	[tilespmem:$0xA100] =	vst v0  }
0x49: {  	[tilespmem:$0xA110] =	vst v0  }
0x4a: {  	[tilespmem:$0xA120] =	vst v0  }
0x4b: {  	[tilespmem:$0xA130] =	vst v0  }
0x4c: {  	[tilespmem:$0xA140] =	vst v0  }
0x4d: {  	[tilespmem:$0xA150] =	vst v0  }
0x4e: {  	[tilespmem:$0xA160] =	vst v0  }
0x4f: {  	[tilespmem:$0xA170] =	vst v0  }
0x50: {  	[tilespmem:$0xA180] =	vst v0  }
0x51: {  	[tilespmem:$0xA190] =	vst v0  }
0x52: {  	[tilespmem:$0xA1A0] =	vst v0  }
0x53: {  	[tilespmem:$0xA1B0] =	vst v0  }
0x54: {  	[tilespmem:$0xA1C0] =	vst v0  }
.Ltmp0:
0x55: {  	[tilespmem:$0xA1D0] =	vst v0;
	(pc) =	sbr.rel @!p0 .LBB2_2-.Ltmp0, $4  }
0x56: {  	[tilespmem:$0xA1E0] =	vst v0  }
0x57: {  	[tilespmem:$0xA1F0] =	vst v0  }
0x58: {  	[tilespmem:$0xA200] =	vst v0  }
0x59: {  	s22 =	sshra.s32 s3, $0x2;
	[tilespmem:$0xA210] =	vst v0  }
0x5a: {  	s22 =	sadd.s32 s22, s9  }
0x5b: {  	[spmem:s22] =	stream.linear.scatter [tilespmem:s13], [sflag:$0x3], $0x400, $0x38;
	[tilespmem:$0x1DAA0] =	vst v63  }
0x5c: {  	s22 =	sadd.s32 $0x1000, s3;
	_ =	swait.ge [sflag:s11], $0x400  }
.LBB2_6:
0x5d: {  	s23 =	sshra.s32 s22, $0x2;
	[sflag:s11] =	ssyncset.done $0x0;
	p1 =	sne.s32 s22, $0x40000  }
.Ltmp1:
0x5e: {  	s23 =	sadd.s32 s23, s9;
	[sflag:s11] =	ssyncadd.s32 $0xFFFFFC00;
	(pc) =	sbr.rel @p1 .LBB2_6-.Ltmp1, $3  }
0x5f: {  	[spmem:s23] =	stream.linear.scatter [tilespmem:s13], [sflag:$0x3], $0x400, $0x38;
	[tilespmem:$0x1DAA0] =	vst v63  }
0x60: {  	s22 =	sadd.s32 $0x1000, s22;
	_ =	sdelay $0x1  }
0x61: {  	_ =	swait.ge [sflag:s11], $0x400  }
.Ltmp2:
0x62: {  	(pc) =	sbr.rel .LBB2_8-.Ltmp2, $3  }
0x63: {  	_ =	sdelay $0x1  }
0x64: {  	[sflag:s11] =	ssyncset.done $0x0  }
0x65: {  	[sflag:s11] =	ssyncadd.s32 $0xFFFFFC00  }
.LBB2_2:
0x66: {  	s22 =	sadd.s32 s22, s7  }
0x67: {  	[spmem:s22] =	stream.linear.scatter [tilespmem:s13], [sflag:$0x3], $0x400, $0x38;
	[tilespmem:$0x1DAA0] =	vst v63  }
0x68: {  	s22 =	sadd.s32 $0x1000, s3;
	_ =	swait.ge [sflag:s11], $0x400  }
.LBB2_3:
0x69: {  	s23 =	sshra.s32 s22, $0x2;
	[sflag:s11] =	ssyncset.done $0x0;
	p1 =	seq.s32 s22, $0x4E000  }
.Ltmp3:
0x6a: {  	s23 =	sadd.s32 s23, s7;
	[sflag:s11] =	ssyncadd.s32 $0xFFFFFC00;
	(pc) =	sbr.rel @!p1 .LBB2_3-.Ltmp3, $3  }
0x6b: {  	[spmem:s23] =	stream.linear.scatter [tilespmem:s13], [sflag:$0x3], $0x400, $0x38;
	[tilespmem:$0x1DAA0] =	vst v63  }
0x6c: {  	s22 =	sadd.s32 $0x1000, s22;
	_ =	sdelay $0x1  }
0x6d: {  	_ =	swait.ge [sflag:s11], $0x400  }
0x6e: {  	[sflag:s11] =	ssyncset.done $0x0  }
0x6f: {  	[sflag:s11] =	ssyncadd.s32 $0xFFFFFC00  }
.LBB2_8:
0x70: {  	[bflag:$0x0] =	sbarrier.arrive $0xFFFF;
	s22 =	simm.s32 $0x50;
	s23 =	simm.s32 $0x0  }
0x71: {  	[tilespmem:s14], [sflag:$0x1] =	stream.indirect.gather [hbm4b:s4+s22], $0x80, s23, s22, $0xb8;
	[tilespmem:$0x1DAA0] =	vst v63  }
0x72: {  	s23 =	sand.u32 $0x1, s23  }
0x73: {  	p1 =	seq.s32 s23, $0x1  }
0x74: {  	s23 =	simm.s32 @p1 $0x50;
	s24 =	simm.s32 @p1 $0x4E20;
	s25 =	simm.s32 @p1 $0x2  }
0x75: {  	[tilespmem:s24], [sflag:$0x1] =	stream.indirect.gather @p1 [hbm4b:s4+s23], $0x80, s22, s23, $0xb8;
	[tilespmem:$0x1DAA0] =	vst v63  }
0x76: {  	_ =	swait.ge @p1 [sflag:s25], $0x2800  }
0x77: {  	[sflag:s25] =	ssyncset.done @p1 $0x0  }
0x78: {  	s24 =	simm.s32 $0x2710;
	[sflag:s25] =	ssyncadd.s32 @p1 $0xFFFFD800;
	s25 =	simm.s32 @p1 $0x7620  }
0x79: {  	[spmem:s2] =	stream.indirect.scatter.add.f32 @p1 [tilespmem:s25], [sflag:$0x3], $0x80, s24, s23, $0xb8;
	[tilespmem:$0x1DAA0] =	vst v63  }
0x7a: {  	s26 =	simm.s32 @!p1 $0x1;
	s23 =	simm.s32 @!p1 $0x50;
	s25 =	simm.s32 @!p1 $0x7620  }
0x7b: {  	[tilespmem:s25], [sflag:$0x2] =	stream.indirect.gather @!p1 [hbm4b:s4+s23], $0x80, s22, s23, $0xb8;
	[tilespmem:$0x1DAA0] =	vst v63  }
0x7c: {  	_ =	swait.ge @!p1 [sflag:s26], $0x2800  }
0x7d: {  	s31 =	simm.s32 $0x1;
	s25 =	simm.s32 @!p1 $0x4;
	[sflag:s26] =	ssyncset.done @!p1 $0x0  }
0x7e: {  	s25 =	simm.s32 @p1 $0x3;
	[sflag:s26] =	ssyncadd.s32 @!p1 $0xFFFFD800;
	s26 =	simm.s32 @!p1 $0x4E20  }
0x7f: {  	[spmem:s2] =	stream.indirect.scatter.add.f32 @!p1 [tilespmem:s26], [sflag:$0x4], $0x80, s24, s23, $0xb8;
	[tilespmem:$0x1DAA0] =	vst v63  }
0x80: {  	s22 =	simm.s32 $0x2760;
	s24 =	simm.s32 $0x2;
	_ =	swait.ge [sflag:s25], $0x2800  }
0x81: {  	s23 =	simm.s32 $0xA0;
	s26 =	sand.u32 $0x1, s31;
	[sflag:s25] =	ssyncset.done $0x0  }
.LBB2_9:
0x82: {  	p1 =	seq.s32 s26, $0x1  }
0x83: {  	[sflag:s25] =	ssyncadd.s32 $0xFFFFD800;
	s26 =	smov.u32 s24;
	s24 =	sadd.s32 $0x1, s24  }
0x84: {  	s28 =	simm.s32 @p1 $0x50;
	s25 =	simm.s32 @p1 $0x4E20;
	s29 =	simm.s32 @p1 $0x2  }
0x85: {  	[tilespmem:s25], [sflag:$0x1] =	stream.indirect.gather @p1 [hbm4b:s4+s28], $0x80, s23, s28, $0xb8;
	[tilespmem:$0x1DAA0] =	vst v63  }
0x86: {  	p2 =	sne.s32 s24, $0x7C;
	s25 =	simm.s32 @!p1 $0x4;
	_ =	swait.ge @p1 [sflag:s29], $0x2800  }
0x87: {  	[sflag:s29] =	ssyncset.done @p1 $0x0  }
0x88: {  	[sflag:s29] =	ssyncadd.s32 @p1 $0xFFFFD800;
	s29 =	simm.s32 @p1 $0x7620  }
0x89: {  	[spmem:s2] =	stream.indirect.scatter.add.f32 @p1 [tilespmem:s29], [sflag:$0x3], $0x80, s22, s28, $0xb8;
	[tilespmem:$0x1DAA0] =	vst v63  }
0x8a: {  	s30 =	simm.s32 @!p1 $0x1;
	s28 =	simm.s32 @!p1 $0x50;
	s29 =	simm.s32 @!p1 $0x7620  }
0x8b: {  	[tilespmem:s29], [sflag:$0x2] =	stream.indirect.gather @!p1 [hbm4b:s4+s28], $0x80, s23, s28, $0xb8;
	[tilespmem:$0x1DAA0] =	vst v63  }
0x8c: {  	_ =	swait.ge @!p1 [sflag:s30], $0x2800  }
.Ltmp4:
0x8d: {  	[sflag:s30] =	ssyncset.done @!p1 $0x0;
	(pc) =	sbr.rel @p2 .LBB2_9-.Ltmp4, $4  }
0x8e: {  	s25 =	simm.s32 @p1 $0x3;
	s29 =	simm.s32 @!p1 $0x4E20;
	[sflag:s30] =	ssyncadd.s32 @!p1 $0xFFFFD800  }
0x8f: {  	[spmem:s2] =	stream.indirect.scatter.add.f32 @!p1 [tilespmem:s29], [sflag:$0x4], $0x80, s22, s28, $0xb8;
	[tilespmem:$0x1DAA0] =	vst v63  }
0x90: {  	s23 =	sadd.s32 $0x50, s23;
	_ =	swait.ge [sflag:s25], $0x2800  }
0x91: {  	s26 =	sand.u32 $0x1, s26;
	s22 =	sadd.s32 $0x50, s22;
	[sflag:s25] =	ssyncset.done $0x0  }
0x92: {  	p1 =	seq.s32 s26, $0x1;
	[sflag:s25] =	ssyncadd.s32 $0xFFFFD800  }
0x93: {  	s24 =	simm.s32 @p1 $0x50;
	s25 =	simm.s32 @p1 $0x4E20;
	s26 =	simm.s32 @p1 $0x2  }
0x94: {  	[tilespmem:s25], [sflag:$0x1] =	stream.indirect.gather @p1 [hbm4b:s4+s24], $0x80, s23, s24, $0xb8;
	[tilespmem:$0x1DAA0] =	vst v63  }
0x95: {  	_ =	swait.ge @p1 [sflag:s26], $0x2800  }
0x96: {  	[sflag:s26] =	ssyncset.done @p1 $0x0  }
0x97: {  	s25 =	simm.s32 @p1 $0x7620;
	[sflag:s26] =	ssyncadd.s32 @p1 $0xFFFFD800  }
0x98: {  	[spmem:s2] =	stream.indirect.scatter.add.f32 @p1 [tilespmem:s25], [sflag:$0x3], $0x80, s22, s24, $0xb8;
	[tilespmem:$0x1DAA0] =	vst v63  }
0x99: {  	s26 =	simm.s32 @!p1 $0x1;
	s24 =	simm.s32 @!p1 $0x50;
	s25 =	simm.s32 @!p1 $0x7620  }
0x9a: {  	[tilespmem:s25], [sflag:$0x2] =	stream.indirect.gather @!p1 [hbm4b:s4+s24], $0x80, s23, s24, $0xb8;
	[tilespmem:$0x1DAA0] =	vst v63  }
0x9b: {  	_ =	swait.ge @!p1 [sflag:s26], $0x2800  }
0x9c: {  	s23 =	simm.s32 @!p1 $0x4;
	[sflag:s26] =	ssyncset.done @!p1 $0x0  }
0x9d: {  	s25 =	simm.s32 @!p1 $0x4E20;
	s23 =	simm.s32 @p1 $0x3;
	[sflag:s26] =	ssyncadd.s32 @!p1 $0xFFFFD800  }
0x9e: {  	[spmem:s2] =	stream.indirect.scatter.add.f32 @!p1 [tilespmem:s25], [sflag:$0x4], $0x80, s22, s24, $0xb8;
	[tilespmem:$0x1DAA0] =	vst v63  }
0x9f: {  	_ =	swait.ge [sflag:s23], $0x2800  }
0xa0: {  	[sflag:s23] =	ssyncset.done $0x0  }
0xa1: {  	[sflag:s23] =	ssyncadd.s32 $0xFFFFD800  }
0xa2: {  	_ =	swait.ge [sflag:s15], $0x2800  }
0xa3: {  	[sflag:s15] =	ssyncset.done $0x0  }
0xa4: {  	[sflag:s15] =	ssyncadd.s32 $0xFFFFD800  }
0xa5: {  	[spmem:s2] =	stream.indirect.scatter.add.f32 [tilespmem:s14], [sflag:$0x4], $0x80, s17, s16, $0xb8;
	[tilespmem:$0x1DAA0] =	vst v63  }
0xa6: {  	_ =	swait.ge [sflag:s18], $0x2800  }
0xa7: {  	[sflag:s18] =	ssyncset.done $0x0  }
0xa8: {  	s22 =	sadd.s32 @p0 $0x25080, s8;
	[sflag:s18] =	ssyncadd.s32 $0xFFFFD800  }
0xa9: {  	s24 =	simm.s32 @p0 $0x1FC3;
	s23 =	sshrl.u32 @p0 s9, $0x3;
	[bflag:$0x0] =	sbarrier.arrive $0xFFFF  }
0xaa: {  	[hbm:s22], [sflag:s24] =	dma.local @p0 [spmem:s23], $0x2080  }
0xab: {  	s22 =	simm.s32 @p0 $0x3  }
0xac: {  	_ =	swait.ge @p0 [sflag:s22], $0x2080  }
0xad: {  	s21 =	sadd.s32 $0x1, s21;
	s23 =	sshll.u32 @!p0 s1, $0x6;
	[sflag:s22] =	ssyncset.done @p0 $0x0  }
0xae: {  	p1 =	sne.s32 s21, s10;
	[sflag:s22] =	ssyncadd.s32 @p0 $0xFFFFDF80;
	s22 =	sor.u32 @!p0 $0x1C03, s23  }
0xaf: {  	[hbm:s19], [sflag:s22] =	dma.local @!p0 [spmem:s20], $0x2780  }
.Ltmp5:
0xb0: {  	_ = 	snop;
	(pc) =	sbr.rel @p1 .LBB2_1-.Ltmp5, $4  }
0xb1: {  	s22 =	simm.s32 @!p0 $0x3  }
0xb2: {  	_ =	swait.ge @!p0 [sflag:s22], $0x2780  }
0xb3: {  	[sflag:s22] =	ssyncset.done @!p0 $0x0  }
0xb4: {  	[sflag:s22] =	ssyncadd.s32 @!p0 $0xFFFFD880  }
0xb5: {  	_ =	sfence.sel $0x180000  }
0xb6: {  	[bflag:$0x0] =	sbarrier.arrive $0xFFFF  }
0xb7: {  	p0 =	sne.s32 s1, $0x0;
	_ =	strace $0x90000047  }
0xb8: {  	s0 =	sadd.s32 @!p0 $0x100000, s0;
	[bflag:$0x2] =	sbarrier.arrive $0xFFFF  }
0xb9: {  	[sflag:s0] =	ssyncadd.tile.s32 @!p0 $0x1;
	_ =	shalt  }
.Lfunc_end2:
_tile_overlayer_lowered:
.L_overlay_start_2:
0xba: {  	(tag) =	ssettag $0x2  }
0xbb: {  	s0 =	rddreg [dreg:$0x0];
	s2 =	stileid.u32  }
0xbc: {  	s1 =	rddreg [dreg:$0x1];
	p0 =	sne.s32 s2, $0x0  }
0xbd: {  	s3 =	rddreg [dreg:$0x2];
	[bflag:$0x3] =	sbarrier.arrive $0xFFFF;
	s2 =	simm.s32 @!p0 $0x1C03  }
0xbe: {  	[timem:s3], [sflag:s2] =	dma.local @!p0 [hbm:s0], s1  }
0xbf: {  	s0 =	simm.s32 @!p0 $0x3  }
0xc0: {  	_ =	swait.ge @!p0 [sflag:s0], s1  }
0xc1: {  	s1 =	ssub.s32 @!p0 $0x0, s1;
	[sflag:s0] =	ssyncset.done @!p0 $0x0  }
0xc2: {  	[sflag:s0] =	ssyncadd.s32 @!p0 s1  }
0xc3: {  	[bflag:$0x3] =	sbarrier.arrive $0xFFFF  }
0xc4: {  	_ =	shalt  }

</sc_bundles>
